<compile_context>
chip_gen: v7x
topology: tpu7x:2x2x1
jax: 0.10.2.dev20260603
libtpu: 0.0.44.dev20260713+nightly
codegen_flags: <defaults>
</compile_context>

<pallas_src>
import functools

import jax
import jax.numpy as jnp
from jax import lax
from jax.experimental import pallas as pl
from jax.experimental.pallas import tpu as pltpu
from jax.experimental.pallas import tpu_sc as plsc

VOCAB_SIZE = 1000000
HIDDEN = 64
SCALE = 8.0
LANES = 16

_info = plsc.get_sparse_core_info()
_NC, _NS = _info.num_cores, _info.num_subcores
NW = _NC * _NS

B_TOTAL = 4096 * 50
BPW = B_TOTAL // NW
CHUNK = 128
NCHUNK = BPW // CHUNK


def _emb_kernel(idx_hbm, table_hbm, out_hbm, idx_v, rows_v, sem):
    wid = lax.axis_index("s") * _NC + lax.axis_index("c")
    base = wid * BPW

    pltpu.sync_copy(idx_hbm.at[wid], idx_v)

    def chunk_body(g, carry):
        pltpu.async_copy(table_hbm.at[idx_v.at[g]], rows_v, sem).wait()

        def grp_body(j, c):
            iv = idx_v[g, pl.ds(j * LANES, LANES)]
            s16 = jnp.where(iv == 0, 0.0, SCALE).astype(jnp.float32)
            for k in range(LANES):
                r = j * LANES + k
                s = s16[k]
                for cc in range(HIDDEN // LANES):
                    sl = pl.ds(cc * LANES, LANES)
                    rows_v[r, sl] = rows_v[r, sl] * s
            return c

        lax.fori_loop(0, CHUNK // LANES, grp_body, 0)

        pltpu.sync_copy(rows_v, out_hbm.at[pl.ds(base + g * CHUNK, CHUNK)])
        return carry

    lax.fori_loop(0, NCHUNK, chunk_body, 0)


@jax.jit
def kernel(inputs, shared_weights):
    idx = inputs.astype(jnp.int32).reshape(NW, NCHUNK, CHUNK)

    mesh = plsc.VectorSubcoreMesh(core_axis_name="c", subcore_axis_name="s")
    out = pl.kernel(
        _emb_kernel,
        mesh=mesh,
        out_type=jax.ShapeDtypeStruct((B_TOTAL, HIDDEN), jnp.float32),
        compiler_params=pltpu.CompilerParams(use_tc_tiling_on_sc=False),
        scratch_types=[
            pltpu.VMEM((NCHUNK, CHUNK), jnp.int32),
            pltpu.VMEM((CHUNK, HIDDEN), jnp.float32),
            pltpu.SemaphoreType.DMA,
        ],
    )(idx, shared_weights)

    return out.reshape(inputs.shape + (HIDDEN,))

# --- scband reference (transcript-rebuilt; emitter-appended) ---
"""Pipeline reference for scband-embedding-shared-weights-23545010717454 (READ-ONLY COPY).

The authoritative reference and input builder live on the scoring server;
editing this copy changes nothing except your own understanding.
"""

import jax, jax.numpy as jnp
import numpy as np

VOCAB_SIZE = 1000000
HIDDEN_SIZE = 64


def setup_inputs(seed: int = 0) -> dict:
    key = jax.random.key(seed)
    k1, k2 = jax.random.split(key)
    inputs = jax.random.randint(k1, (4096, 50), 0, VOCAB_SIZE, dtype=jnp.int64 if jax.config.jax_enable_x64 else jnp.int32)
    shared_weights = jax.random.normal(k2, (VOCAB_SIZE, HIDDEN_SIZE), dtype=jnp.float32) * (HIDDEN_SIZE ** -0.5)
    return {"inputs": inputs, "shared_weights": shared_weights}


def reference(inputs, shared_weights):
    # mode == 'embedding'
    mask = (inputs != 0).astype(jnp.float32)
    embeddings = jnp.take(shared_weights, inputs, axis=0)
    embeddings = embeddings * mask[..., None]
    embeddings = embeddings * (HIDDEN_SIZE ** 0.5)
    return embeddings

if __name__ == "__main__":
    import jax
    _d = setup_inputs()
    print(jax.jit(kernel)(*tuple(_d.values())))

</pallas_src>

<mosaic_0001>
#map = affine_map<(d0, d1) -> (0, 0, 0)>
#map1 = affine_map<(d0, d1) -> (0, 0)>
module attributes {stable_mosaic.version = 14 : i64} {
  func.func @_emb_kernel(%arg0: i32, %arg1: i32, %arg2: memref<32x50x128xi32, #tpu.memory_space<hbm>>, %arg3: memref<1000000x64xf32, #tpu.memory_space<hbm>>, %arg4: memref<204800x64xf32, #tpu.memory_space<hbm>>, %arg5: memref<50x128xi32, #tpu.memory_space<vmem>>, %arg6: memref<128x64xf32, #tpu.memory_space<vmem>>, %arg7: memref<!tpu.dma_semaphore, #tpu.memory_space<semaphore_mem>>) attributes {dimension_semantics = [#tpu.dimension_semantics<core_parallel>, #tpu.dimension_semantics<subcore_parallel>], iteration_bounds = array<i64: 2, 16>, scalar_prefetch = 0 : i64, scratch_operands = 3 : i64, tpu.core_type = #tpu.core_type<sc_vector_subcore>, window_params = [{transform_indices = #map}, {transform_indices = #map1}, {transform_indices = #map1}]} {
    %mul3A = arith.constant 2 : i32
    %mul3A_0 = arith.muli %arg1, %mul3A : i32
    %add3A = arith.addi %mul3A_0, %arg0 : i32
    %mul3A_1 = arith.constant 6400 : i32
    %mul3A_2 = arith.muli %add3A, %mul3A_1 : i32
    "tpu.region"() ({
      %run_scoped3A = tpu.sem_alloc : memref<!tpu.dma_semaphore, #tpu.memory_space<semaphore_mem>>
      %dma_start3A = arith.constant 0 : i32
      %dma_start3A_8 = arith.constant 0 : i32
      %dma_start3A_9 = tpu.memref_slice %arg2[%add3A, %dma_start3A, %dma_start3A_8] : memref<32x50x128xi32, #tpu.memory_space<hbm>> -> memref<1x50x128xi32, #tpu.memory_space<hbm>>
      %dma_start3A_10 = tpu.memref_squeeze %dma_start3A_9 : memref<1x50x128xi32, #tpu.memory_space<hbm>> -> memref<50x128xi32, #tpu.memory_space<hbm>>
      %dma_start3A_11 = arith.constant 0 : i32
      %dma_start3A_12 = arith.constant 0 : i32
      %dma_start3A_13 = tpu.memref_slice %arg2[%add3A, %dma_start3A_11, %dma_start3A_12] : memref<32x50x128xi32, #tpu.memory_space<hbm>> -> memref<1x50x128xi32, #tpu.memory_space<hbm>>
      %dma_start3A_14 = tpu.memref_squeeze %dma_start3A_13 : memref<1x50x128xi32, #tpu.memory_space<hbm>> -> memref<50x128xi32, #tpu.memory_space<hbm>>
      tpu.enqueue_dma source(%dma_start3A_14 : memref<50x128xi32, #tpu.memory_space<hbm>>) target(%arg5 : memref<50x128xi32, #tpu.memory_space<vmem>>) target_semaphore(%run_scoped3A : memref<!tpu.dma_semaphore, #tpu.memory_space<semaphore_mem>>)
      %dma_wait3A = arith.constant 0 : i32
      %dma_wait3A_15 = arith.constant 0 : i32
      %dma_wait3A_16 = tpu.memref_slice %arg2[%add3A, %dma_wait3A, %dma_wait3A_15] : memref<32x50x128xi32, #tpu.memory_space<hbm>> -> memref<1x50x128xi32, #tpu.memory_space<hbm>>
      %dma_wait3A_17 = tpu.memref_squeeze %dma_wait3A_16 : memref<1x50x128xi32, #tpu.memory_space<hbm>> -> memref<50x128xi32, #tpu.memory_space<hbm>>
      %dma_wait3A_18 = arith.constant 0 : i32
      %dma_wait3A_19 = arith.constant 0 : i32
      %dma_wait3A_20 = tpu.memref_slice %arg2[%add3A, %dma_wait3A_18, %dma_wait3A_19] : memref<32x50x128xi32, #tpu.memory_space<hbm>> -> memref<1x50x128xi32, #tpu.memory_space<hbm>>
      %dma_wait3A_21 = tpu.memref_squeeze %dma_wait3A_20 : memref<1x50x128xi32, #tpu.memory_space<hbm>> -> memref<50x128xi32, #tpu.memory_space<hbm>>
      tpu.wait_dma2 semaphore(%run_scoped3A : memref<!tpu.dma_semaphore, #tpu.memory_space<semaphore_mem>>) src(%dma_wait3A_21 : memref<50x128xi32, #tpu.memory_space<hbm>>) dst(%arg5 : memref<50x128xi32, #tpu.memory_space<vmem>>)
      tpu.yield
    }) : () -> ()
    %scan3A = arith.constant 0 : i32
    %scan3A_3 = arith.constant 0 : i32
    %scan3A_4 = arith.constant 50 : i32
    %scan3A_5 = arith.addi %scan3A_3, %scan3A_4 : i32
    %scan3A_6 = arith.constant 1 : i32
    scf.for %scan3A_8 = %scan3A_3 to %scan3A_5 step %scan3A_6  : i32 {
      %dma_start3A = arith.constant 0 : i32
      %dma_start3A_9 = tpu.memref_slice %arg5[%scan3A_8, %dma_start3A] : memref<50x128xi32, #tpu.memory_space<vmem>> -> memref<1x128xi32, #tpu.memory_space<vmem>>
      %dma_start3A_10 = tpu.memref_squeeze %dma_start3A_9 : memref<1x128xi32, #tpu.memory_space<vmem>> -> memref<128xi32, #tpu.memory_space<vmem>>
      %dma_start3A_11 = arith.constant 0 : i32
      %dma_start3A_12 = arith.constant 0 : i32
      %dma_start3A_13 = tpu.memref_slice %arg3[%dma_start3A_11, %dma_start3A_12] : memref<1000000x64xf32, #tpu.memory_space<hbm>> -> memref<1000000x64xf32, #tpu.memory_space<hbm>>
      tpu.enqueue_indirect_dma source(%dma_start3A_13 : memref<1000000x64xf32, #tpu.memory_space<hbm>>) target(%arg6 : memref<128x64xf32, #tpu.memory_space<vmem>>) offsets(%dma_start3A_10 : memref<128xi32, #tpu.memory_space<vmem>>) semaphore(%arg7 : memref<!tpu.dma_semaphore, #tpu.memory_space<semaphore_mem>>)
      %dma_wait3A = arith.constant 0 : i32
      %dma_wait3A_14 = tpu.memref_slice %arg5[%scan3A_8, %dma_wait3A] : memref<50x128xi32, #tpu.memory_space<vmem>> -> memref<1x128xi32, #tpu.memory_space<vmem>>
      %dma_wait3A_15 = tpu.memref_squeeze %dma_wait3A_14 : memref<1x128xi32, #tpu.memory_space<vmem>> -> memref<128xi32, #tpu.memory_space<vmem>>
      %dma_wait3A_16 = arith.constant 0 : i32
      %dma_wait3A_17 = arith.constant 0 : i32
      %dma_wait3A_18 = tpu.memref_slice %arg3[%dma_wait3A_16, %dma_wait3A_17] : memref<1000000x64xf32, #tpu.memory_space<hbm>> -> memref<1000000x64xf32, #tpu.memory_space<hbm>>
      tpu.wait_indirect_dma semaphore(%arg7 : memref<!tpu.dma_semaphore, #tpu.memory_space<semaphore_mem>>) src(%dma_wait3A_18 : memref<1000000x64xf32, #tpu.memory_space<hbm>>) dst(%arg6 : memref<128x64xf32, #tpu.memory_space<vmem>>)
      %scan3A_19 = arith.constant 0 : i32
      %scan3A_20 = arith.constant 0 : i32
      %scan3A_21 = arith.constant 8 : i32
      %scan3A_22 = arith.addi %scan3A_20, %scan3A_21 : i32
      %scan3A_23 = arith.constant 1 : i32
      scf.for %scan3A_28 = %scan3A_20 to %scan3A_22 step %scan3A_23  : i32 {
        %mul3A_29 = arith.constant 16 : i32
        %mul3A_30 = arith.muli %scan3A_28, %mul3A_29 : i32
        %get3A = arith.index_cast %scan3A_8 : i32 to index
        %get3A_31 = arith.index_cast %mul3A_30 : i32 to index
        %get3A_32 = tpu.vector_load %arg5[%get3A, %get3A_31] {strides = array<i32>} : memref<50x128xi32, #tpu.memory_space<vmem>>, vector<1x16xi32>,
        %get3A_33 = vector.shape_cast %get3A_32 : vector<1x16xi32> to vector<16xi32>
        %eq3A = arith.constant 0 : i32
        %eq3A_34 = vector.broadcast %eq3A : i32 to vector<16xi32>
        %eq3A_35 = arith.cmpi eq, %get3A_33, %eq3A_34 : vector<16xi32>
        %jit3A = arith.constant 0.000000e+00 : f32
        %jit3A_36 = arith.constant 8.000000e+00 : f32
        %broadcast_in_dim3A = vector.broadcast %jit3A : f32 to vector<16xf32>
        %broadcast_in_dim3A_37 = vector.broadcast %jit3A_36 : f32 to vector<16xf32>
        %select_n3A = arith.select %eq3A_35, %broadcast_in_dim3A, %broadcast_in_dim3A_37 : vector<16xi1>, vector<16xf32>
        %mul3A_38 = arith.constant 16 : i32
        %mul3A_39 = arith.muli %scan3A_28, %mul3A_38 : i32
        %add3A_40 = arith.constant 0 : i32
        %add3A_41 = arith.addi %mul3A_39, %add3A_40 : i32
        %slice3A = vector.extract_strided_slice %select_n3A {offsets = [0], sizes = [1], strides = [1]} : vector<16xf32> to vector<1xf32>
        %squeeze3A = vector.extract %slice3A[0] : f32 from vector<1xf32>
        %get3A_42 = arith.index_cast %add3A_41 : i32 to index
        %get3A_43 = arith.constant 0 : index
        %get3A_44 = tpu.vector_load %arg6[%get3A_42, %get3A_43] {strides = array<i32>} : memref<128x64xf32, #tpu.memory_space<vmem>>, vector<1x16xf32>,
        %get3A_45 = vector.shape_cast %get3A_44 : vector<1x16xf32> to vector<16xf32>
        %mul3A_46 = vector.broadcast %squeeze3A : f32 to vector<16xf32>
        %mul3A_47 = arith.mulf %get3A_45, %mul3A_46 : vector<16xf32>
        %swap3A = arith.index_cast %add3A_41 : i32 to index
        %swap3A_48 = arith.constant 0 : index
        %swap3A_49 = tpu.vector_load %arg6[%swap3A, %swap3A_48] {strides = array<i32>} : memref<128x64xf32, #tpu.memory_space<vmem>>, vector<1x16xf32>,
        %swap3A_50 = vector.shape_cast %swap3A_49 : vector<1x16xf32> to vector<16xf32>
        %swap3A_51 = vector.shape_cast %mul3A_47 : vector<16xf32> to vector<1x16xf32>
        tpu.vector_store %arg6[%swap3A, %swap3A_48], %swap3A_51 {strides = array<i32>} : memref<128x64xf32, #tpu.memory_space<vmem>>, vector<1x16xf32>,
        %get3A_52 = arith.index_cast %add3A_41 : i32 to index
        %get3A_53 = arith.constant 16 : index
        %get3A_54 = tpu.vector_load %arg6[%get3A_52, %get3A_53] {strides = array<i32>} : memref<128x64xf32, #tpu.memory_space<vmem>>, vector<1x16xf32>,
        %get3A_55 = vector.shape_cast %get3A_54 : vector<1x16xf32> to vector<16xf32>
        %mul3A_56 = vector.broadcast %squeeze3A : f32 to vector<16xf32>
        %mul3A_57 = arith.mulf %get3A_55, %mul3A_56 : vector<16xf32>
        %swap3A_58 = arith.index_cast %add3A_41 : i32 to index
        %swap3A_59 = arith.constant 16 : index
        %swap3A_60 = tpu.vector_load %arg6[%swap3A_58, %swap3A_59] {strides = array<i32>} : memref<128x64xf32, #tpu.memory_space<vmem>>, vector<1x16xf32>,
        %swap3A_61 = vector.shape_cast %swap3A_60 : vector<1x16xf32> to vector<16xf32>
        %swap3A_62 = vector.shape_cast %mul3A_57 : vector<16xf32> to vector<1x16xf32>
        tpu.vector_store %arg6[%swap3A_58, %swap3A_59], %swap3A_62 {strides = array<i32>} : memref<128x64xf32, #tpu.memory_space<vmem>>, vector<1x16xf32>,
        %get3A_63 = arith.index_cast %add3A_41 : i32 to index
        %get3A_64 = arith.constant 32 : index
        %get3A_65 = tpu.vector_load %arg6[%get3A_63, %get3A_64] {strides = array<i32>} : memref<128x64xf32, #tpu.memory_space<vmem>>, vector<1x16xf32>,
        %get3A_66 = vector.shape_cast %get3A_65 : vector<1x16xf32> to vector<16xf32>
        %mul3A_67 = vector.broadcast %squeeze3A : f32 to vector<16xf32>
        %mul3A_68 = arith.mulf %get3A_66, %mul3A_67 : vector<16xf32>
        %swap3A_69 = arith.index_cast %add3A_41 : i32 to index
        %swap3A_70 = arith.constant 32 : index
        %swap3A_71 = tpu.vector_load %arg6[%swap3A_69, %swap3A_70] {strides = array<i32>} : memref<128x64xf32, #tpu.memory_space<vmem>>, vector<1x16xf32>,
        %swap3A_72 = vector.shape_cast %swap3A_71 : vector<1x16xf32> to vector<16xf32>
        %swap3A_73 = vector.shape_cast %mul3A_68 : vector<16xf32> to vector<1x16xf32>
        tpu.vector_store %arg6[%swap3A_69, %swap3A_70], %swap3A_73 {strides = array<i32>} : memref<128x64xf32, #tpu.memory_space<vmem>>, vector<1x16xf32>,
        %get3A_74 = arith.index_cast %add3A_41 : i32 to index
        %get3A_75 = arith.constant 48 : index
        %get3A_76 = tpu.vector_load %arg6[%get3A_74, %get3A_75] {strides = array<i32>} : memref<128x64xf32, #tpu.memory_space<vmem>>, vector<1x16xf32>,
        %get3A_77 = vector.shape_cast %get3A_76 : vector<1x16xf32> to vector<16xf32>
        %mul3A_78 = vector.broadcast %squeeze3A : f32 to vector<16xf32>
        %mul3A_79 = arith.mulf %get3A_77, %mul3A_78 : vector<16xf32>
        %swap3A_80 = arith.index_cast %add3A_41 : i32 to index
        %swap3A_81 = arith.constant 48 : index
        %swap3A_82 = tpu.vector_load %arg6[%swap3A_80, %swap3A_81] {strides = array<i32>} : memref<128x64xf32, #tpu.memory_space<vmem>>, vector<1x16xf32>,
        %swap3A_83 = vector.shape_cast %swap3A_82 : vector<1x16xf32> to vector<16xf32>
        %swap3A_84 = vector.shape_cast %mul3A_79 : vector<16xf32> to vector<1x16xf32>
        tpu.vector_store %arg6[%swap3A_80, %swap3A_81], %swap3A_84 {strides = array<i32>} : memref<128x64xf32, #tpu.memory_space<vmem>>, vector<1x16xf32>,
        %mul3A_85 = arith.constant 16 : i32
        %mul3A_86 = arith.muli %scan3A_28, %mul3A_85 : i32
        %add3A_87 = arith.constant 1 : i32
        %add3A_88 = arith.addi %mul3A_86, %add3A_87 : i32
        %slice3A_89 = vector.extract_strided_slice %select_n3A {offsets = [1], sizes = [1], strides = [1]} : vector<16xf32> to vector<1xf32>
        %squeeze3A_90 = vector.extract %slice3A_89[0] : f32 from vector<1xf32>
        %get3A_91 = arith.index_cast %add3A_88 : i32 to index
        %get3A_92 = arith.constant 0 : index
        %get3A_93 = tpu.vector_load %arg6[%get3A_91, %get3A_92] {strides = array<i32>} : memref<128x64xf32, #tpu.memory_space<vmem>>, vector<1x16xf32>,
        %get3A_94 = vector.shape_cast %get3A_93 : vector<1x16xf32> to vector<16xf32>
        %mul3A_95 = vector.broadcast %squeeze3A_90 : f32 to vector<16xf32>
        %mul3A_96 = arith.mulf %get3A_94, %mul3A_95 : vector<16xf32>
        %swap3A_97 = arith.index_cast %add3A_88 : i32 to index
        %swap3A_98 = arith.constant 0 : index
        %swap3A_99 = tpu.vector_load %arg6[%swap3A_97, %swap3A_98] {strides = array<i32>} : memref<128x64xf32, #tpu.memory_space<vmem>>, vector<1x16xf32>,
        %swap3A_100 = vector.shape_cast %swap3A_99 : vector<1x16xf32> to vector<16xf32>
        %swap3A_101 = vector.shape_cast %mul3A_96 : vector<16xf32> to vector<1x16xf32>
        tpu.vector_store %arg6[%swap3A_97, %swap3A_98], %swap3A_101 {strides = array<i32>} : memref<128x64xf32, #tpu.memory_space<vmem>>, vector<1x16xf32>,
        %get3A_102 = arith.index_cast %add3A_88 : i32 to index
        %get3A_103 = arith.constant 16 : index
        %get3A_104 = tpu.vector_load %arg6[%get3A_102, %get3A_103] {strides = array<i32>} : memref<128x64xf32, #tpu.memory_space<vmem>>, vector<1x16xf32>,
        %get3A_105 = vector.shape_cast %get3A_104 : vector<1x16xf32> to vector<16xf32>
        %mul3A_106 = vector.broadcast %squeeze3A_90 : f32 to vector<16xf32>
        %mul3A_107 = arith.mulf %get3A_105, %mul3A_106 : vector<16xf32>
        %swap3A_108 = arith.index_cast %add3A_88 : i32 to index
        %swap3A_109 = arith.constant 16 : index
        %swap3A_110 = tpu.vector_load %arg6[%swap3A_108, %swap3A_109] {strides = array<i32>} : memref<128x64xf32, #tpu.memory_space<vmem>>, vector<1x16xf32>,
        %swap3A_111 = vector.shape_cast %swap3A_110 : vector<1x16xf32> to vector<16xf32>
        %swap3A_112 = vector.shape_cast %mul3A_107 : vector<16xf32> to vector<1x16xf32>
        tpu.vector_store %arg6[%swap3A_108, %swap3A_109], %swap3A_112 {strides = array<i32>} : memref<128x64xf32, #tpu.memory_space<vmem>>, vector<1x16xf32>,
        %get3A_113 = arith.index_cast %add3A_88 : i32 to index
        %get3A_114 = arith.constant 32 : index
        %get3A_115 = tpu.vector_load %arg6[%get3A_113, %get3A_114] {strides = array<i32>} : memref<128x64xf32, #tpu.memory_space<vmem>>, vector<1x16xf32>,
        %get3A_116 = vector.shape_cast %get3A_115 : vector<1x16xf32> to vector<16xf32>
        %mul3A_117 = vector.broadcast %squeeze3A_90 : f32 to vector<16xf32>
        %mul3A_118 = arith.mulf %get3A_116, %mul3A_117 : vector<16xf32>
        %swap3A_119 = arith.index_cast %add3A_88 : i32 to index
        %swap3A_120 = arith.constant 32 : index
        %swap3A_121 = tpu.vector_load %arg6[%swap3A_119, %swap3A_120] {strides = array<i32>} : memref<128x64xf32, #tpu.memory_space<vmem>>, vector<1x16xf32>,
        %swap3A_122 = vector.shape_cast %swap3A_121 : vector<1x16xf32> to vector<16xf32>
        %swap3A_123 = vector.shape_cast %mul3A_118 : vector<16xf32> to vector<1x16xf32>
        tpu.vector_store %arg6[%swap3A_119, %swap3A_120], %swap3A_123 {strides = array<i32>} : memref<128x64xf32, #tpu.memory_space<vmem>>, vector<1x16xf32>,
        %get3A_124 = arith.index_cast %add3A_88 : i32 to index
        %get3A_125 = arith.constant 48 : index
        %get3A_126 = tpu.vector_load %arg6[%get3A_124, %get3A_125] {strides = array<i32>} : memref<128x64xf32, #tpu.memory_space<vmem>>, vector<1x16xf32>,
        %get3A_127 = vector.shape_cast %get3A_126 : vector<1x16xf32> to vector<16xf32>
        %mul3A_128 = vector.broadcast %squeeze3A_90 : f32 to vector<16xf32>
        %mul3A_129 = arith.mulf %get3A_127, %mul3A_128 : vector<16xf32>
        %swap3A_130 = arith.index_cast %add3A_88 : i32 to index
        %swap3A_131 = arith.constant 48 : index
        %swap3A_132 = tpu.vector_load %arg6[%swap3A_130, %swap3A_131] {strides = array<i32>} : memref<128x64xf32, #tpu.memory_space<vmem>>, vector<1x16xf32>,
        %swap3A_133 = vector.shape_cast %swap3A_132 : vector<1x16xf32> to vector<16xf32>
        %swap3A_134 = vector.shape_cast %mul3A_129 : vector<16xf32> to vector<1x16xf32>
        tpu.vector_store %arg6[%swap3A_130, %swap3A_131], %swap3A_134 {strides = array<i32>} : memref<128x64xf32, #tpu.memory_space<vmem>>, vector<1x16xf32>,
        %mul3A_135 = arith.constant 16 : i32
        %mul3A_136 = arith.muli %scan3A_28, %mul3A_135 : i32
        %add3A_137 = arith.constant 2 : i32
        %add3A_138 = arith.addi %mul3A_136, %add3A_137 : i32
        %slice3A_139 = vector.extract_strided_slice %select_n3A {offsets = [2], sizes = [1], strides = [1]} : vector<16xf32> to vector<1xf32>
        %squeeze3A_140 = vector.extract %slice3A_139[0] : f32 from vector<1xf32>
        %get3A_141 = arith.index_cast %add3A_138 : i32 to index
        %get3A_142 = arith.constant 0 : index
        %get3A_143 = tpu.vector_load %arg6[%get3A_141, %get3A_142] {strides = array<i32>} : memref<128x64xf32, #tpu.memory_space<vmem>>, vector<1x16xf32>,
        %get3A_144 = vector.shape_cast %get3A_143 : vector<1x16xf32> to vector<16xf32>
        %mul3A_145 = vector.broadcast %squeeze3A_140 : f32 to vector<16xf32>
        %mul3A_146 = arith.mulf %get3A_144, %mul3A_145 : vector<16xf32>
        %swap3A_147 = arith.index_cast %add3A_138 : i32 to index
        %swap3A_148 = arith.constant 0 : index
        %swap3A_149 = tpu.vector_load %arg6[%swap3A_147, %swap3A_148] {strides = array<i32>} : memref<128x64xf32, #tpu.memory_space<vmem>>, vector<1x16xf32>,
        %swap3A_150 = vector.shape_cast %swap3A_149 : vector<1x16xf32> to vector<16xf32>
        %swap3A_151 = vector.shape_cast %mul3A_146 : vector<16xf32> to vector<1x16xf32>
        tpu.vector_store %arg6[%swap3A_147, %swap3A_148], %swap3A_151 {strides = array<i32>} : memref<128x64xf32, #tpu.memory_space<vmem>>, vector<1x16xf32>,
        %get3A_152 = arith.index_cast %add3A_138 : i32 to index
        %get3A_153 = arith.constant 16 : index
        %get3A_154 = tpu.vector_load %arg6[%get3A_152, %get3A_153] {strides = array<i32>} : memref<128x64xf32, #tpu.memory_space<vmem>>, vector<1x16xf32>,
        %get3A_155 = vector.shape_cast %get3A_154 : vector<1x16xf32> to vector<16xf32>
        %mul3A_156 = vector.broadcast %squeeze3A_140 : f32 to vector<16xf32>
        %mul3A_157 = arith.mulf %get3A_155, %mul3A_156 : vector<16xf32>
        %swap3A_158 = arith.index_cast %add3A_138 : i32 to index
        %swap3A_159 = arith.constant 16 : index
        %swap3A_160 = tpu.vector_load %arg6[%swap3A_158, %swap3A_159] {strides = array<i32>} : memref<128x64xf32, #tpu.memory_space<vmem>>, vector<1x16xf32>,
        %swap3A_161 = vector.shape_cast %swap3A_160 : vector<1x16xf32> to vector<16xf32>
        %swap3A_162 = vector.shape_cast %mul3A_157 : vector<16xf32> to vector<1x16xf32>
        tpu.vector_store %arg6[%swap3A_158, %swap3A_159], %swap3A_162 {strides = array<i32>} : memref<128x64xf32, #tpu.memory_space<vmem>>, vector<1x16xf32>,
        %get3A_163 = arith.index_cast %add3A_138 : i32 to index
        %get3A_164 = arith.constant 32 : index
        %get3A_165 = tpu.vector_load %arg6[%get3A_163, %get3A_164] {strides = array<i32>} : memref<128x64xf32, #tpu.memory_space<vmem>>, vector<1x16xf32>,
        %get3A_166 = vector.shape_cast %get3A_165 : vector<1x16xf32> to vector<16xf32>
        %mul3A_167 = vector.broadcast %squeeze3A_140 : f32 to vector<16xf32>
        %mul3A_168 = arith.mulf %get3A_166, %mul3A_167 : vector<16xf32>
        %swap3A_169 = arith.index_cast %add3A_138 : i32 to index
        %swap3A_170 = arith.constant 32 : index
        %swap3A_171 = tpu.vector_load %arg6[%swap3A_169, %swap3A_170] {strides = array<i32>} : memref<128x64xf32, #tpu.memory_space<vmem>>, vector<1x16xf32>,
        %swap3A_172 = vector.shape_cast %swap3A_171 : vector<1x16xf32> to vector<16xf32>
        %swap3A_173 = vector.shape_cast %mul3A_168 : vector<16xf32> to vector<1x16xf32>
        tpu.vector_store %arg6[%swap3A_169, %swap3A_170], %swap3A_173 {strides = array<i32>} : memref<128x64xf32, #tpu.memory_space<vmem>>, vector<1x16xf32>,
        %get3A_174 = arith.index_cast %add3A_138 : i32 to index
        %get3A_175 = arith.constant 48 : index
        %get3A_176 = tpu.vector_load %arg6[%get3A_174, %get3A_175] {strides = array<i32>} : memref<128x64xf32, #tpu.memory_space<vmem>>, vector<1x16xf32>,
        %get3A_177 = vector.shape_cast %get3A_176 : vector<1x16xf32> to vector<16xf32>
        %mul3A_178 = vector.broadcast %squeeze3A_140 : f32 to vector<16xf32>
        %mul3A_179 = arith.mulf %get3A_177, %mul3A_178 : vector<16xf32>
        %swap3A_180 = arith.index_cast %add3A_138 : i32 to index
        %swap3A_181 = arith.constant 48 : index
        %swap3A_182 = tpu.vector_load %arg6[%swap3A_180, %swap3A_181] {strides = array<i32>} : memref<128x64xf32, #tpu.memory_space<vmem>>, vector<1x16xf32>,
        %swap3A_183 = vector.shape_cast %swap3A_182 : vector<1x16xf32> to vector<16xf32>
        %swap3A_184 = vector.shape_cast %mul3A_179 : vector<16xf32> to vector<1x16xf32>
        tpu.vector_store %arg6[%swap3A_180, %swap3A_181], %swap3A_184 {strides = array<i32>} : memref<128x64xf32, #tpu.memory_space<vmem>>, vector<1x16xf32>,
        %mul3A_185 = arith.constant 16 : i32
        %mul3A_186 = arith.muli %scan3A_28, %mul3A_185 : i32
        %add3A_187 = arith.constant 3 : i32
        %add3A_188 = arith.addi %mul3A_186, %add3A_187 : i32
        %slice3A_189 = vector.extract_strided_slice %select_n3A {offsets = [3], sizes = [1], strides = [1]} : vector<16xf32> to vector<1xf32>
        %squeeze3A_190 = vector.extract %slice3A_189[0] : f32 from vector<1xf32>
        %get3A_191 = arith.index_cast %add3A_188 : i32 to index
        %get3A_192 = arith.constant 0 : index
        %get3A_193 = tpu.vector_load %arg6[%get3A_191, %get3A_192] {strides = array<i32>} : memref<128x64xf32, #tpu.memory_space<vmem>>, vector<1x16xf32>,
        %get3A_194 = vector.shape_cast %get3A_193 : vector<1x16xf32> to vector<16xf32>
        %mul3A_195 = vector.broadcast %squeeze3A_190 : f32 to vector<16xf32>
        %mul3A_196 = arith.mulf %get3A_194, %mul3A_195 : vector<16xf32>
        %swap3A_197 = arith.index_cast %add3A_188 : i32 to index
        %swap3A_198 = arith.constant 0 : index
        %swap3A_199 = tpu.vector_load %arg6[%swap3A_197, %swap3A_198] {strides = array<i32>} : memref<128x64xf32, #tpu.memory_space<vmem>>, vector<1x16xf32>,
        %swap3A_200 = vector.shape_cast %swap3A_199 : vector<1x16xf32> to vector<16xf32>
        %swap3A_201 = vector.shape_cast %mul3A_196 : vector<16xf32> to vector<1x16xf32>
        tpu.vector_store %arg6[%swap3A_197, %swap3A_198], %swap3A_201 {strides = array<i32>} : memref<128x64xf32, #tpu.memory_space<vmem>>, vector<1x16xf32>,
        %get3A_202 = arith.index_cast %add3A_188 : i32 to index
        %get3A_203 = arith.constant 16 : index
        %get3A_204 = tpu.vector_load %arg6[%get3A_202, %get3A_203] {strides = array<i32>} : memref<128x64xf32, #tpu.memory_space<vmem>>, vector<1x16xf32>,
        %get3A_205 = vector.shape_cast %get3A_204 : vector<1x16xf32> to vector<16xf32>
        %mul3A_206 = vector.broadcast %squeeze3A_190 : f32 to vector<16xf32>
        %mul3A_207 = arith.mulf %get3A_205, %mul3A_206 : vector<16xf32>
        %swap3A_208 = arith.index_cast %add3A_188 : i32 to index
        %swap3A_209 = arith.constant 16 : index
        %swap3A_210 = tpu.vector_load %arg6[%swap3A_208, %swap3A_209] {strides = array<i32>} : memref<128x64xf32, #tpu.memory_space<vmem>>, vector<1x16xf32>,
        %swap3A_211 = vector.shape_cast %swap3A_210 : vector<1x16xf32> to vector<16xf32>
        %swap3A_212 = vector.shape_cast %mul3A_207 : vector<16xf32> to vector<1x16xf32>
        tpu.vector_store %arg6[%swap3A_208, %swap3A_209], %swap3A_212 {strides = array<i32>} : memref<128x64xf32, #tpu.memory_space<vmem>>, vector<1x16xf32>,
        %get3A_213 = arith.index_cast %add3A_188 : i32 to index
        %get3A_214 = arith.constant 32 : index
        %get3A_215 = tpu.vector_load %arg6[%get3A_213, %get3A_214] {strides = array<i32>} : memref<128x64xf32, #tpu.memory_space<vmem>>, vector<1x16xf32>,
        %get3A_216 = vector.shape_cast %get3A_215 : vector<1x16xf32> to vector<16xf32>
        %mul3A_217 = vector.broadcast %squeeze3A_190 : f32 to vector<16xf32>
        %mul3A_218 = arith.mulf %get3A_216, %mul3A_217 : vector<16xf32>
        %swap3A_219 = arith.index_cast %add3A_188 : i32 to index
        %swap3A_220 = arith.constant 32 : index
        %swap3A_221 = tpu.vector_load %arg6[%swap3A_219, %swap3A_220] {strides = array<i32>} : memref<128x64xf32, #tpu.memory_space<vmem>>, vector<1x16xf32>,
        %swap3A_222 = vector.shape_cast %swap3A_221 : vector<1x16xf32> to vector<16xf32>
        %swap3A_223 = vector.shape_cast %mul3A_218 : vector<16xf32> to vector<1x16xf32>
        tpu.vector_store %arg6[%swap3A_219, %swap3A_220], %swap3A_223 {strides = array<i32>} : memref<128x64xf32, #tpu.memory_space<vmem>>, vector<1x16xf32>,
        %get3A_224 = arith.index_cast %add3A_188 : i32 to index
        %get3A_225 = arith.constant 48 : index
        %get3A_226 = tpu.vector_load %arg6[%get3A_224, %get3A_225] {strides = array<i32>} : memref<128x64xf32, #tpu.memory_space<vmem>>, vector<1x16xf32>,
        %get3A_227 = vector.shape_cast %get3A_226 : vector<1x16xf32> to vector<16xf32>
        %mul3A_228 = vector.broadcast %squeeze3A_190 : f32 to vector<16xf32>
        %mul3A_229 = arith.mulf %get3A_227, %mul3A_228 : vector<16xf32>
        %swap3A_230 = arith.index_cast %add3A_188 : i32 to index
        %swap3A_231 = arith.constant 48 : index
        %swap3A_232 = tpu.vector_load %arg6[%swap3A_230, %swap3A_231] {strides = array<i32>} : memref<128x64xf32, #tpu.memory_space<vmem>>, vector<1x16xf32>,
        %swap3A_233 = vector.shape_cast %swap3A_232 : vector<1x16xf32> to vector<16xf32>
        %swap3A_234 = vector.shape_cast %mul3A_229 : vector<16xf32> to vector<1x16xf32>
        tpu.vector_store %arg6[%swap3A_230, %swap3A_231], %swap3A_234 {strides = array<i32>} : memref<128x64xf32, #tpu.memory_space<vmem>>, vector<1x16xf32>,
        %mul3A_235 = arith.constant 16 : i32
        %mul3A_236 = arith.muli %scan3A_28, %mul3A_235 : i32
        %add3A_237 = arith.constant 4 : i32
        %add3A_238 = arith.addi %mul3A_236, %add3A_237 : i32
        %slice3A_239 = vector.extract_strided_slice %select_n3A {offsets = [4], sizes = [1], strides = [1]} : vector<16xf32> to vector<1xf32>
        %squeeze3A_240 = vector.extract %slice3A_239[0] : f32 from vector<1xf32>
        %get3A_241 = arith.index_cast %add3A_238 : i32 to index
        %get3A_242 = arith.constant 0 : index
        %get3A_243 = tpu.vector_load %arg6[%get3A_241, %get3A_242] {strides = array<i32>} : memref<128x64xf32, #tpu.memory_space<vmem>>, vector<1x16xf32>,
        %get3A_244 = vector.shape_cast %get3A_243 : vector<1x16xf32> to vector<16xf32>
        %mul3A_245 = vector.broadcast %squeeze3A_240 : f32 to vector<16xf32>
        %mul3A_246 = arith.mulf %get3A_244, %mul3A_245 : vector<16xf32>
        %swap3A_247 = arith.index_cast %add3A_238 : i32 to index
        %swap3A_248 = arith.constant 0 : index
        %swap3A_249 = tpu.vector_load %arg6[%swap3A_247, %swap3A_248] {strides = array<i32>} : memref<128x64xf32, #tpu.memory_space<vmem>>, vector<1x16xf32>,
        %swap3A_250 = vector.shape_cast %swap3A_249 : vector<1x16xf32> to vector<16xf32>
        %swap3A_251 = vector.shape_cast %mul3A_246 : vector<16xf32> to vector<1x16xf32>
        tpu.vector_store %arg6[%swap3A_247, %swap3A_248], %swap3A_251 {strides = array<i32>} : memref<128x64xf32, #tpu.memory_space<vmem>>, vector<1x16xf32>,
        %get3A_252 = arith.index_cast %add3A_238 : i32 to index
        %get3A_253 = arith.constant 16 : index
        %get3A_254 = tpu.vector_load %arg6[%get3A_252, %get3A_253] {strides = array<i32>} : memref<128x64xf32, #tpu.memory_space<vmem>>, vector<1x16xf32>,
        %get3A_255 = vector.shape_cast %get3A_254 : vector<1x16xf32> to vector<16xf32>
        %mul3A_256 = vector.broadcast %squeeze3A_240 : f32 to vector<16xf32>
        %mul3A_257 = arith.mulf %get3A_255, %mul3A_256 : vector<16xf32>
        %swap3A_258 = arith.index_cast %add3A_238 : i32 to index
        %swap3A_259 = arith.constant 16 : index
        %swap3A_260 = tpu.vector_load %arg6[%swap3A_258, %swap3A_259] {strides = array<i32>} : memref<128x64xf32, #tpu.memory_space<vmem>>, vector<1x16xf32>,
        %swap3A_261 = vector.shape_cast %swap3A_260 : vector<1x16xf32> to vector<16xf32>
        %swap3A_262 = vector.shape_cast %mul3A_257 : vector<16xf32> to vector<1x16xf32>
        tpu.vector_store %arg6[%swap3A_258, %swap3A_259], %swap3A_262 {strides = array<i32>} : memref<128x64xf32, #tpu.memory_space<vmem>>, vector<1x16xf32>,
        %get3A_263 = arith.index_cast %add3A_238 : i32 to index
        %get3A_264 = arith.constant 32 : index
        %get3A_265 = tpu.vector_load %arg6[%get3A_263, %get3A_264] {strides = array<i32>} : memref<128x64xf32, #tpu.memory_space<vmem>>, vector<1x16xf32>,
        %get3A_266 = vector.shape_cast %get3A_265 : vector<1x16xf32> to vector<16xf32>
        %mul3A_267 = vector.broadcast %squeeze3A_240 : f32 to vector<16xf32>
        %mul3A_268 = arith.mulf %get3A_266, %mul3A_267 : vector<16xf32>
        %swap3A_269 = arith.index_cast %add3A_238 : i32 to index
        %swap3A_270 = arith.constant 32 : index
        %swap3A_271 = tpu.vector_load %arg6[%swap3A_269, %swap3A_270] {strides = array<i32>} : memref<128x64xf32, #tpu.memory_space<vmem>>, vector<1x16xf32>,
        %swap3A_272 = vector.shape_cast %swap3A_271 : vector<1x16xf32> to vector<16xf32>
        %swap3A_273 = vector.shape_cast %mul3A_268 : vector<16xf32> to vector<1x16xf32>
        tpu.vector_store %arg6[%swap3A_269, %swap3A_270], %swap3A_273 {strides = array<i32>} : memref<128x64xf32, #tpu.memory_space<vmem>>, vector<1x16xf32>,
        %get3A_274 = arith.index_cast %add3A_238 : i32 to index
        %get3A_275 = arith.constant 48 : index
        %get3A_276 = tpu.vector_load %arg6[%get3A_274, %get3A_275] {strides = array<i32>} : memref<128x64xf32, #tpu.memory_space<vmem>>, vector<1x16xf32>,
        %get3A_277 = vector.shape_cast %get3A_276 : vector<1x16xf32> to vector<16xf32>
        %mul3A_278 = vector.broadcast %squeeze3A_240 : f32 to vector<16xf32>
        %mul3A_279 = arith.mulf %get3A_277, %mul3A_278 : vector<16xf32>
        %swap3A_280 = arith.index_cast %add3A_238 : i32 to index
        %swap3A_281 = arith.constant 48 : index
        %swap3A_282 = tpu.vector_load %arg6[%swap3A_280, %swap3A_281] {strides = array<i32>} : memref<128x64xf32, #tpu.memory_space<vmem>>, vector<1x16xf32>,
        %swap3A_283 = vector.shape_cast %swap3A_282 : vector<1x16xf32> to vector<16xf32>
        %swap3A_284 = vector.shape_cast %mul3A_279 : vector<16xf32> to vector<1x16xf32>
        tpu.vector_store %arg6[%swap3A_280, %swap3A_281], %swap3A_284 {strides = array<i32>} : memref<128x64xf32, #tpu.memory_space<vmem>>, vector<1x16xf32>,
        %mul3A_285 = arith.constant 16 : i32
        %mul3A_286 = arith.muli %scan3A_28, %mul3A_285 : i32
        %add3A_287 = arith.constant 5 : i32
        %add3A_288 = arith.addi %mul3A_286, %add3A_287 : i32
        %slice3A_289 = vector.extract_strided_slice %select_n3A {offsets = [5], sizes = [1], strides = [1]} : vector<16xf32> to vector<1xf32>
        %squeeze3A_290 = vector.extract %slice3A_289[0] : f32 from vector<1xf32>
        %get3A_291 = arith.index_cast %add3A_288 : i32 to index
        %get3A_292 = arith.constant 0 : index
        %get3A_293 = tpu.vector_load %arg6[%get3A_291, %get3A_292] {strides = array<i32>} : memref<128x64xf32, #tpu.memory_space<vmem>>, vector<1x16xf32>,
        %get3A_294 = vector.shape_cast %get3A_293 : vector<1x16xf32> to vector<16xf32>
        %mul3A_295 = vector.broadcast %squeeze3A_290 : f32 to vector<16xf32>
        %mul3A_296 = arith.mulf %get3A_294, %mul3A_295 : vector<16xf32>
        %swap3A_297 = arith.index_cast %add3A_288 : i32 to index
        %swap3A_298 = arith.constant 0 : index
        %swap3A_299 = tpu.vector_load %arg6[%swap3A_297, %swap3A_298] {strides = array<i32>} : memref<128x64xf32, #tpu.memory_space<vmem>>, vector<1x16xf32>,
        %swap3A_300 = vector.shape_cast %swap3A_299 : vector<1x16xf32> to vector<16xf32>
        %swap3A_301 = vector.shape_cast %mul3A_296 : vector<16xf32> to vector<1x16xf32>
        tpu.vector_store %arg6[%swap3A_297, %swap3A_298], %swap3A_301 {strides = array<i32>} : memref<128x64xf32, #tpu.memory_space<vmem>>, vector<1x16xf32>,
        %get3A_302 = arith.index_cast %add3A_288 : i32 to index
        %get3A_303 = arith.constant 16 : index
        %get3A_304 = tpu.vector_load %arg6[%get3A_302, %get3A_303] {strides = array<i32>} : memref<128x64xf32, #tpu.memory_space<vmem>>, vector<1x16xf32>,
        %get3A_305 = vector.shape_cast %get3A_304 : vector<1x16xf32> to vector<16xf32>
        %mul3A_306 = vector.broadcast %squeeze3A_290 : f32 to vector<16xf32>
        %mul3A_307 = arith.mulf %get3A_305, %mul3A_306 : vector<16xf32>
        %swap3A_308 = arith.index_cast %add3A_288 : i32 to index
        %swap3A_309 = arith.constant 16 : index
        %swap3A_310 = tpu.vector_load %arg6[%swap3A_308, %swap3A_309] {strides = array<i32>} : memref<128x64xf32, #tpu.memory_space<vmem>>, vector<1x16xf32>,
        %swap3A_311 = vector.shape_cast %swap3A_310 : vector<1x16xf32> to vector<16xf32>
        %swap3A_312 = vector.shape_cast %mul3A_307 : vector<16xf32> to vector<1x16xf32>
        tpu.vector_store %arg6[%swap3A_308, %swap3A_309], %swap3A_312 {strides = array<i32>} : memref<128x64xf32, #tpu.memory_space<vmem>>, vector<1x16xf32>,
        %get3A_313 = arith.index_cast %add3A_288 : i32 to index
        %get3A_314 = arith.constant 32 : index
        %get3A_315 = tpu.vector_load %arg6[%get3A_313, %get3A_314] {strides = array<i32>} : memref<128x64xf32, #tpu.memory_space<vmem>>, vector<1x16xf32>,
        %get3A_316 = vector.shape_cast %get3A_315 : vector<1x16xf32> to vector<16xf32>
        %mul3A_317 = vector.broadcast %squeeze3A_290 : f32 to vector<16xf32>
        %mul3A_318 = arith.mulf %get3A_316, %mul3A_317 : vector<16xf32>
        %swap3A_319 = arith.index_cast %add3A_288 : i32 to index
        %swap3A_320 = arith.constant 32 : index
        %swap3A_321 = tpu.vector_load %arg6[%swap3A_319, %swap3A_320] {strides = array<i32>} : memref<128x64xf32, #tpu.memory_space<vmem>>, vector<1x16xf32>,
        %swap3A_322 = vector.shape_cast %swap3A_321 : vector<1x16xf32> to vector<16xf32>
        %swap3A_323 = vector.shape_cast %mul3A_318 : vector<16xf32> to vector<1x16xf32>
        tpu.vector_store %arg6[%swap3A_319, %swap3A_320], %swap3A_323 {strides = array<i32>} : memref<128x64xf32, #tpu.memory_space<vmem>>, vector<1x16xf32>,
        %get3A_324 = arith.index_cast %add3A_288 : i32 to index
        %get3A_325 = arith.constant 48 : index
        %get3A_326 = tpu.vector_load %arg6[%get3A_324, %get3A_325] {strides = array<i32>} : memref<128x64xf32, #tpu.memory_space<vmem>>, vector<1x16xf32>,
        %get3A_327 = vector.shape_cast %get3A_326 : vector<1x16xf32> to vector<16xf32>
        %mul3A_328 = vector.broadcast %squeeze3A_290 : f32 to vector<16xf32>
        %mul3A_329 = arith.mulf %get3A_327, %mul3A_328 : vector<16xf32>
        %swap3A_330 = arith.index_cast %add3A_288 : i32 to index
        %swap3A_331 = arith.constant 48 : index
        %swap3A_332 = tpu.vector_load %arg6[%swap3A_330, %swap3A_331] {strides = array<i32>} : memref<128x64xf32, #tpu.memory_space<vmem>>, vector<1x16xf32>,
        %swap3A_333 = vector.shape_cast %swap3A_332 : vector<1x16xf32> to vector<16xf32>
        %swap3A_334 = vector.shape_cast %mul3A_329 : vector<16xf32> to vector<1x16xf32>
        tpu.vector_store %arg6[%swap3A_330, %swap3A_331], %swap3A_334 {strides = array<i32>} : memref<128x64xf32, #tpu.memory_space<vmem>>, vector<1x16xf32>,
        %mul3A_335 = arith.constant 16 : i32
        %mul3A_336 = arith.muli %scan3A_28, %mul3A_335 : i32
        %add3A_337 = arith.constant 6 : i32
        %add3A_338 = arith.addi %mul3A_336, %add3A_337 : i32
        %slice3A_339 = vector.extract_strided_slice %select_n3A {offsets = [6], sizes = [1], strides = [1]} : vector<16xf32> to vector<1xf32>
        %squeeze3A_340 = vector.extract %slice3A_339[0] : f32 from vector<1xf32>
        %get3A_341 = arith.index_cast %add3A_338 : i32 to index
        %get3A_342 = arith.constant 0 : index
        %get3A_343 = tpu.vector_load %arg6[%get3A_341, %get3A_342] {strides = array<i32>} : memref<128x64xf32, #tpu.memory_space<vmem>>, vector<1x16xf32>,
        %get3A_344 = vector.shape_cast %get3A_343 : vector<1x16xf32> to vector<16xf32>
        %mul3A_345 = vector.broadcast %squeeze3A_340 : f32 to vector<16xf32>
        %mul3A_346 = arith.mulf %get3A_344, %mul3A_345 : vector<16xf32>
        %swap3A_347 = arith.index_cast %add3A_338 : i32 to index
        %swap3A_348 = arith.constant 0 : index
        %swap3A_349 = tpu.vector_load %arg6[%swap3A_347, %swap3A_348] {strides = array<i32>} : memref<128x64xf32, #tpu.memory_space<vmem>>, vector<1x16xf32>,
        %swap3A_350 = vector.shape_cast %swap3A_349 : vector<1x16xf32> to vector<16xf32>
        %swap3A_351 = vector.shape_cast %mul3A_346 : vector<16xf32> to vector<1x16xf32>
        tpu.vector_store %arg6[%swap3A_347, %swap3A_348], %swap3A_351 {strides = array<i32>} : memref<128x64xf32, #tpu.memory_space<vmem>>, vector<1x16xf32>,
        %get3A_352 = arith.index_cast %add3A_338 : i32 to index
        %get3A_353 = arith.constant 16 : index
        %get3A_354 = tpu.vector_load %arg6[%get3A_352, %get3A_353] {strides = array<i32>} : memref<128x64xf32, #tpu.memory_space<vmem>>, vector<1x16xf32>,
        %get3A_355 = vector.shape_cast %get3A_354 : vector<1x16xf32> to vector<16xf32>
        %mul3A_356 = vector.broadcast %squeeze3A_340 : f32 to vector<16xf32>
        %mul3A_357 = arith.mulf %get3A_355, %mul3A_356 : vector<16xf32>
        %swap3A_358 = arith.index_cast %add3A_338 : i32 to index
        %swap3A_359 = arith.constant 16 : index
        %swap3A_360 = tpu.vector_load %arg6[%swap3A_358, %swap3A_359] {strides = array<i32>} : memref<128x64xf32, #tpu.memory_space<vmem>>, vector<1x16xf32>,
        %swap3A_361 = vector.shape_cast %swap3A_360 : vector<1x16xf32> to vector<16xf32>
        %swap3A_362 = vector.shape_cast %mul3A_357 : vector<16xf32> to vector<1x16xf32>
        tpu.vector_store %arg6[%swap3A_358, %swap3A_359], %swap3A_362 {strides = array<i32>} : memref<128x64xf32, #tpu.memory_space<vmem>>, vector<1x16xf32>,
        %get3A_363 = arith.index_cast %add3A_338 : i32 to index
        %get3A_364 = arith.constant 32 : index
        %get3A_365 = tpu.vector_load %arg6[%get3A_363, %get3A_364] {strides = array<i32>} : memref<128x64xf32, #tpu.memory_space<vmem>>, vector<1x16xf32>,
        %get3A_366 = vector.shape_cast %get3A_365 : vector<1x16xf32> to vector<16xf32>
        %mul3A_367 = vector.broadcast %squeeze3A_340 : f32 to vector<16xf32>
        %mul3A_368 = arith.mulf %get3A_366, %mul3A_367 : vector<16xf32>
        %swap3A_369 = arith.index_cast %add3A_338 : i32 to index
        %swap3A_370 = arith.constant 32 : index
        %swap3A_371 = tpu.vector_load %arg6[%swap3A_369, %swap3A_370] {strides = array<i32>} : memref<128x64xf32, #tpu.memory_space<vmem>>, vector<1x16xf32>,
        %swap3A_372 = vector.shape_cast %swap3A_371 : vector<1x16xf32> to vector<16xf32>
        %swap3A_373 = vector.shape_cast %mul3A_368 : vector<16xf32> to vector<1x16xf32>
        tpu.vector_store %arg6[%swap3A_369, %swap3A_370], %swap3A_373 {strides = array<i32>} : memref<128x64xf32, #tpu.memory_space<vmem>>, vector<1x16xf32>,
        %get3A_374 = arith.index_cast %add3A_338 : i32 to index
        %get3A_375 = arith.constant 48 : index
        %get3A_376 = tpu.vector_load %arg6[%get3A_374, %get3A_375] {strides = array<i32>} : memref<128x64xf32, #tpu.memory_space<vmem>>, vector<1x16xf32>,
        %get3A_377 = vector.shape_cast %get3A_376 : vector<1x16xf32> to vector<16xf32>
        %mul3A_378 = vector.broadcast %squeeze3A_340 : f32 to vector<16xf32>
        %mul3A_379 = arith.mulf %get3A_377, %mul3A_378 : vector<16xf32>
        %swap3A_380 = arith.index_cast %add3A_338 : i32 to index
        %swap3A_381 = arith.constant 48 : index
        %swap3A_382 = tpu.vector_load %arg6[%swap3A_380, %swap3A_381] {strides = array<i32>} : memref<128x64xf32, #tpu.memory_space<vmem>>, vector<1x16xf32>,
        %swap3A_383 = vector.shape_cast %swap3A_382 : vector<1x16xf32> to vector<16xf32>
        %swap3A_384 = vector.shape_cast %mul3A_379 : vector<16xf32> to vector<1x16xf32>
        tpu.vector_store %arg6[%swap3A_380, %swap3A_381], %swap3A_384 {strides = array<i32>} : memref<128x64xf32, #tpu.memory_space<vmem>>, vector<1x16xf32>,
        %mul3A_385 = arith.constant 16 : i32
        %mul3A_386 = arith.muli %scan3A_28, %mul3A_385 : i32
        %add3A_387 = arith.constant 7 : i32
        %add3A_388 = arith.addi %mul3A_386, %add3A_387 : i32
        %slice3A_389 = vector.extract_strided_slice %select_n3A {offsets = [7], sizes = [1], strides = [1]} : vector<16xf32> to vector<1xf32>
        %squeeze3A_390 = vector.extract %slice3A_389[0] : f32 from vector<1xf32>
        %get3A_391 = arith.index_cast %add3A_388 : i32 to index
        %get3A_392 = arith.constant 0 : index
        %get3A_393 = tpu.vector_load %arg6[%get3A_391, %get3A_392] {strides = array<i32>} : memref<128x64xf32, #tpu.memory_space<vmem>>, vector<1x16xf32>,
        %get3A_394 = vector.shape_cast %get3A_393 : vector<1x16xf32> to vector<16xf32>
        %mul3A_395 = vector.broadcast %squeeze3A_390 : f32 to vector<16xf32>
        %mul3A_396 = arith.mulf %get3A_394, %mul3A_395 : vector<16xf32>
        %swap3A_397 = arith.index_cast %add3A_388 : i32 to index
        %swap3A_398 = arith.constant 0 : index
        %swap3A_399 = tpu.vector_load %arg6[%swap3A_397, %swap3A_398] {strides = array<i32>} : memref<128x64xf32, #tpu.memory_space<vmem>>, vector<1x16xf32>,
        %swap3A_400 = vector.shape_cast %swap3A_399 : vector<1x16xf32> to vector<16xf32>
        %swap3A_401 = vector.shape_cast %mul3A_396 : vector<16xf32> to vector<1x16xf32>
        tpu.vector_store %arg6[%swap3A_397, %swap3A_398], %swap3A_401 {strides = array<i32>} : memref<128x64xf32, #tpu.memory_space<vmem>>, vector<1x16xf32>,
        %get3A_402 = arith.index_cast %add3A_388 : i32 to index
        %get3A_403 = arith.constant 16 : index
        %get3A_404 = tpu.vector_load %arg6[%get3A_402, %get3A_403] {strides = array<i32>} : memref<128x64xf32, #tpu.memory_space<vmem>>, vector<1x16xf32>,
        %get3A_405 = vector.shape_cast %get3A_404 : vector<1x16xf32> to vector<16xf32>
        %mul3A_406 = vector.broadcast %squeeze3A_390 : f32 to vector<16xf32>
        %mul3A_407 = arith.mulf %get3A_405, %mul3A_406 : vector<16xf32>
        %swap3A_408 = arith.index_cast %add3A_388 : i32 to index
        %swap3A_409 = arith.constant 16 : index
        %swap3A_410 = tpu.vector_load %arg6[%swap3A_408, %swap3A_409] {strides = array<i32>} : memref<128x64xf32, #tpu.memory_space<vmem>>, vector<1x16xf32>,
        %swap3A_411 = vector.shape_cast %swap3A_410 : vector<1x16xf32> to vector<16xf32>
        %swap3A_412 = vector.shape_cast %mul3A_407 : vector<16xf32> to vector<1x16xf32>
        tpu.vector_store %arg6[%swap3A_408, %swap3A_409], %swap3A_412 {strides = array<i32>} : memref<128x64xf32, #tpu.memory_space<vmem>>, vector<1x16xf32>,
        %get3A_413 = arith.index_cast %add3A_388 : i32 to index
        %get3A_414 = arith.constant 32 : index
        %get3A_415 = tpu.vector_load %arg6[%get3A_413, %get3A_414] {strides = array<i32>} : memref<128x64xf32, #tpu.memory_space<vmem>>, vector<1x16xf32>,
        %get3A_416 = vector.shape_cast %get3A_415 : vector<1x16xf32> to vector<16xf32>
        %mul3A_417 = vector.broadcast %squeeze3A_390 : f32 to vector<16xf32>
        %mul3A_418 = arith.mulf %get3A_416, %mul3A_417 : vector<16xf32>
        %swap3A_419 = arith.index_cast %add3A_388 : i32 to index
        %swap3A_420 = arith.constant 32 : index
        %swap3A_421 = tpu.vector_load %arg6[%swap3A_419, %swap3A_420] {strides = array<i32>} : memref<128x64xf32, #tpu.memory_space<vmem>>, vector<1x16xf32>,
        %swap3A_422 = vector.shape_cast %swap3A_421 : vector<1x16xf32> to vector<16xf32>
        %swap3A_423 = vector.shape_cast %mul3A_418 : vector<16xf32> to vector<1x16xf32>
        tpu.vector_store %arg6[%swap3A_419, %swap3A_420], %swap3A_423 {strides = array<i32>} : memref<128x64xf32, #tpu.memory_space<vmem>>, vector<1x16xf32>,
        %get3A_424 = arith.index_cast %add3A_388 : i32 to index
        %get3A_425 = arith.constant 48 : index
        %get3A_426 = tpu.vector_load %arg6[%get3A_424, %get3A_425] {strides = array<i32>} : memref<128x64xf32, #tpu.memory_space<vmem>>, vector<1x16xf32>,
        %get3A_427 = vector.shape_cast %get3A_426 : vector<1x16xf32> to vector<16xf32>
        %mul3A_428 = vector.broadcast %squeeze3A_390 : f32 to vector<16xf32>
        %mul3A_429 = arith.mulf %get3A_427, %mul3A_428 : vector<16xf32>
        %swap3A_430 = arith.index_cast %add3A_388 : i32 to index
        %swap3A_431 = arith.constant 48 : index
        %swap3A_432 = tpu.vector_load %arg6[%swap3A_430, %swap3A_431] {strides = array<i32>} : memref<128x64xf32, #tpu.memory_space<vmem>>, vector<1x16xf32>,
        %swap3A_433 = vector.shape_cast %swap3A_432 : vector<1x16xf32> to vector<16xf32>
        %swap3A_434 = vector.shape_cast %mul3A_429 : vector<16xf32> to vector<1x16xf32>
        tpu.vector_store %arg6[%swap3A_430, %swap3A_431], %swap3A_434 {strides = array<i32>} : memref<128x64xf32, #tpu.memory_space<vmem>>, vector<1x16xf32>,
        %mul3A_435 = arith.constant 16 : i32
        %mul3A_436 = arith.muli %scan3A_28, %mul3A_435 : i32
        %add3A_437 = arith.constant 8 : i32
        %add3A_438 = arith.addi %mul3A_436, %add3A_437 : i32
        %slice3A_439 = vector.extract_strided_slice %select_n3A {offsets = [8], sizes = [1], strides = [1]} : vector<16xf32> to vector<1xf32>
        %squeeze3A_440 = vector.extract %slice3A_439[0] : f32 from vector<1xf32>
        %get3A_441 = arith.index_cast %add3A_438 : i32 to index
        %get3A_442 = arith.constant 0 : index
        %get3A_443 = tpu.vector_load %arg6[%get3A_441, %get3A_442] {strides = array<i32>} : memref<128x64xf32, #tpu.memory_space<vmem>>, vector<1x16xf32>,
        %get3A_444 = vector.shape_cast %get3A_443 : vector<1x16xf32> to vector<16xf32>
        %mul3A_445 = vector.broadcast %squeeze3A_440 : f32 to vector<16xf32>
        %mul3A_446 = arith.mulf %get3A_444, %mul3A_445 : vector<16xf32>
        %swap3A_447 = arith.index_cast %add3A_438 : i32 to index
        %swap3A_448 = arith.constant 0 : index
        %swap3A_449 = tpu.vector_load %arg6[%swap3A_447, %swap3A_448] {strides = array<i32>} : memref<128x64xf32, #tpu.memory_space<vmem>>, vector<1x16xf32>,
        %swap3A_450 = vector.shape_cast %swap3A_449 : vector<1x16xf32> to vector<16xf32>
        %swap3A_451 = vector.shape_cast %mul3A_446 : vector<16xf32> to vector<1x16xf32>
        tpu.vector_store %arg6[%swap3A_447, %swap3A_448], %swap3A_451 {strides = array<i32>} : memref<128x64xf32, #tpu.memory_space<vmem>>, vector<1x16xf32>,
        %get3A_452 = arith.index_cast %add3A_438 : i32 to index
        %get3A_453 = arith.constant 16 : index
        %get3A_454 = tpu.vector_load %arg6[%get3A_452, %get3A_453] {strides = array<i32>} : memref<128x64xf32, #tpu.memory_space<vmem>>, vector<1x16xf32>,
        %get3A_455 = vector.shape_cast %get3A_454 : vector<1x16xf32> to vector<16xf32>
        %mul3A_456 = vector.broadcast %squeeze3A_440 : f32 to vector<16xf32>
        %mul3A_457 = arith.mulf %get3A_455, %mul3A_456 : vector<16xf32>
        %swap3A_458 = arith.index_cast %add3A_438 : i32 to index
        %swap3A_459 = arith.constant 16 : index
        %swap3A_460 = tpu.vector_load %arg6[%swap3A_458, %swap3A_459] {strides = array<i32>} : memref<128x64xf32, #tpu.memory_space<vmem>>, vector<1x16xf32>,
        %swap3A_461 = vector.shape_cast %swap3A_460 : vector<1x16xf32> to vector<16xf32>
        %swap3A_462 = vector.shape_cast %mul3A_457 : vector<16xf32> to vector<1x16xf32>
        tpu.vector_store %arg6[%swap3A_458, %swap3A_459], %swap3A_462 {strides = array<i32>} : memref<128x64xf32, #tpu.memory_space<vmem>>, vector<1x16xf32>,
        %get3A_463 = arith.index_cast %add3A_438 : i32 to index
        %get3A_464 = arith.constant 32 : index
        %get3A_465 = tpu.vector_load %arg6[%get3A_463, %get3A_464] {strides = array<i32>} : memref<128x64xf32, #tpu.memory_space<vmem>>, vector<1x16xf32>,
        %get3A_466 = vector.shape_cast %get3A_465 : vector<1x16xf32> to vector<16xf32>
        %mul3A_467 = vector.broadcast %squeeze3A_440 : f32 to vector<16xf32>
        %mul3A_468 = arith.mulf %get3A_466, %mul3A_467 : vector<16xf32>
        %swap3A_469 = arith.index_cast %add3A_438 : i32 to index
        %swap3A_470 = arith.constant 32 : index
        %swap3A_471 = tpu.vector_load %arg6[%swap3A_469, %swap3A_470] {strides = array<i32>} : memref<128x64xf32, #tpu.memory_space<vmem>>, vector<1x16xf32>,
        %swap3A_472 = vector.shape_cast %swap3A_471 : vector<1x16xf32> to vector<16xf32>
        %swap3A_473 = vector.shape_cast %mul3A_468 : vector<16xf32> to vector<1x16xf32>
        tpu.vector_store %arg6[%swap3A_469, %swap3A_470], %swap3A_473 {strides = array<i32>} : memref<128x64xf32, #tpu.memory_space<vmem>>, vector<1x16xf32>,
        %get3A_474 = arith.index_cast %add3A_438 : i32 to index
        %get3A_475 = arith.constant 48 : index
        %get3A_476 = tpu.vector_load %arg6[%get3A_474, %get3A_475] {strides = array<i32>} : memref<128x64xf32, #tpu.memory_space<vmem>>, vector<1x16xf32>,
        %get3A_477 = vector.shape_cast %get3A_476 : vector<1x16xf32> to vector<16xf32>
        %mul3A_478 = vector.broadcast %squeeze3A_440 : f32 to vector<16xf32>
        %mul3A_479 = arith.mulf %get3A_477, %mul3A_478 : vector<16xf32>
        %swap3A_480 = arith.index_cast %add3A_438 : i32 to index
        %swap3A_481 = arith.constant 48 : index
        %swap3A_482 = tpu.vector_load %arg6[%swap3A_480, %swap3A_481] {strides = array<i32>} : memref<128x64xf32, #tpu.memory_space<vmem>>, vector<1x16xf32>,
        %swap3A_483 = vector.shape_cast %swap3A_482 : vector<1x16xf32> to vector<16xf32>
        %swap3A_484 = vector.shape_cast %mul3A_479 : vector<16xf32> to vector<1x16xf32>
        tpu.vector_store %arg6[%swap3A_480, %swap3A_481], %swap3A_484 {strides = array<i32>} : memref<128x64xf32, #tpu.memory_space<vmem>>, vector<1x16xf32>,
        %mul3A_485 = arith.constant 16 : i32
        %mul3A_486 = arith.muli %scan3A_28, %mul3A_485 : i32
        %add3A_487 = arith.constant 9 : i32
        %add3A_488 = arith.addi %mul3A_486, %add3A_487 : i32
        %slice3A_489 = vector.extract_strided_slice %select_n3A {offsets = [9], sizes = [1], strides = [1]} : vector<16xf32> to vector<1xf32>
        %squeeze3A_490 = vector.extract %slice3A_489[0] : f32 from vector<1xf32>
        %get3A_491 = arith.index_cast %add3A_488 : i32 to index
        %get3A_492 = arith.constant 0 : index
        %get3A_493 = tpu.vector_load %arg6[%get3A_491, %get3A_492] {strides = array<i32>} : memref<128x64xf32, #tpu.memory_space<vmem>>, vector<1x16xf32>,
        %get3A_494 = vector.shape_cast %get3A_493 : vector<1x16xf32> to vector<16xf32>
        %mul3A_495 = vector.broadcast %squeeze3A_490 : f32 to vector<16xf32>
        %mul3A_496 = arith.mulf %get3A_494, %mul3A_495 : vector<16xf32>
        %swap3A_497 = arith.index_cast %add3A_488 : i32 to index
        %swap3A_498 = arith.constant 0 : index
        %swap3A_499 = tpu.vector_load %arg6[%swap3A_497, %swap3A_498] {strides = array<i32>} : memref<128x64xf32, #tpu.memory_space<vmem>>, vector<1x16xf32>,
        %swap3A_500 = vector.shape_cast %swap3A_499 : vector<1x16xf32> to vector<16xf32>
        %swap3A_501 = vector.shape_cast %mul3A_496 : vector<16xf32> to vector<1x16xf32>
        tpu.vector_store %arg6[%swap3A_497, %swap3A_498], %swap3A_501 {strides = array<i32>} : memref<128x64xf32, #tpu.memory_space<vmem>>, vector<1x16xf32>,
        %get3A_502 = arith.index_cast %add3A_488 : i32 to index
        %get3A_503 = arith.constant 16 : index
        %get3A_504 = tpu.vector_load %arg6[%get3A_502, %get3A_503] {strides = array<i32>} : memref<128x64xf32, #tpu.memory_space<vmem>>, vector<1x16xf32>,
        %get3A_505 = vector.shape_cast %get3A_504 : vector<1x16xf32> to vector<16xf32>
        %mul3A_506 = vector.broadcast %squeeze3A_490 : f32 to vector<16xf32>
        %mul3A_507 = arith.mulf %get3A_505, %mul3A_506 : vector<16xf32>
        %swap3A_508 = arith.index_cast %add3A_488 : i32 to index
        %swap3A_509 = arith.constant 16 : index
        %swap3A_510 = tpu.vector_load %arg6[%swap3A_508, %swap3A_509] {strides = array<i32>} : memref<128x64xf32, #tpu.memory_space<vmem>>, vector<1x16xf32>,
        %swap3A_511 = vector.shape_cast %swap3A_510 : vector<1x16xf32> to vector<16xf32>
        %swap3A_512 = vector.shape_cast %mul3A_507 : vector<16xf32> to vector<1x16xf32>
        tpu.vector_store %arg6[%swap3A_508, %swap3A_509], %swap3A_512 {strides = array<i32>} : memref<128x64xf32, #tpu.memory_space<vmem>>, vector<1x16xf32>,
        %get3A_513 = arith.index_cast %add3A_488 : i32 to index
        %get3A_514 = arith.constant 32 : index
        %get3A_515 = tpu.vector_load %arg6[%get3A_513, %get3A_514] {strides = array<i32>} : memref<128x64xf32, #tpu.memory_space<vmem>>, vector<1x16xf32>,
        %get3A_516 = vector.shape_cast %get3A_515 : vector<1x16xf32> to vector<16xf32>
        %mul3A_517 = vector.broadcast %squeeze3A_490 : f32 to vector<16xf32>
        %mul3A_518 = arith.mulf %get3A_516, %mul3A_517 : vector<16xf32>
        %swap3A_519 = arith.index_cast %add3A_488 : i32 to index
        %swap3A_520 = arith.constant 32 : index
        %swap3A_521 = tpu.vector_load %arg6[%swap3A_519, %swap3A_520] {strides = array<i32>} : memref<128x64xf32, #tpu.memory_space<vmem>>, vector<1x16xf32>,
        %swap3A_522 = vector.shape_cast %swap3A_521 : vector<1x16xf32> to vector<16xf32>
        %swap3A_523 = vector.shape_cast %mul3A_518 : vector<16xf32> to vector<1x16xf32>
        tpu.vector_store %arg6[%swap3A_519, %swap3A_520], %swap3A_523 {strides = array<i32>} : memref<128x64xf32, #tpu.memory_space<vmem>>, vector<1x16xf32>,
        %get3A_524 = arith.index_cast %add3A_488 : i32 to index
        %get3A_525 = arith.constant 48 : index
        %get3A_526 = tpu.vector_load %arg6[%get3A_524, %get3A_525] {strides = array<i32>} : memref<128x64xf32, #tpu.memory_space<vmem>>, vector<1x16xf32>,
        %get3A_527 = vector.shape_cast %get3A_526 : vector<1x16xf32> to vector<16xf32>
        %mul3A_528 = vector.broadcast %squeeze3A_490 : f32 to vector<16xf32>
        %mul3A_529 = arith.mulf %get3A_527, %mul3A_528 : vector<16xf32>
        %swap3A_530 = arith.index_cast %add3A_488 : i32 to index
        %swap3A_531 = arith.constant 48 : index
        %swap3A_532 = tpu.vector_load %arg6[%swap3A_530, %swap3A_531] {strides = array<i32>} : memref<128x64xf32, #tpu.memory_space<vmem>>, vector<1x16xf32>,
        %swap3A_533 = vector.shape_cast %swap3A_532 : vector<1x16xf32> to vector<16xf32>
        %swap3A_534 = vector.shape_cast %mul3A_529 : vector<16xf32> to vector<1x16xf32>
        tpu.vector_store %arg6[%swap3A_530, %swap3A_531], %swap3A_534 {strides = array<i32>} : memref<128x64xf32, #tpu.memory_space<vmem>>, vector<1x16xf32>,
        %mul3A_535 = arith.constant 16 : i32
        %mul3A_536 = arith.muli %scan3A_28, %mul3A_535 : i32
        %add3A_537 = arith.constant 10 : i32
        %add3A_538 = arith.addi %mul3A_536, %add3A_537 : i32
        %slice3A_539 = vector.extract_strided_slice %select_n3A {offsets = [10], sizes = [1], strides = [1]} : vector<16xf32> to vector<1xf32>
        %squeeze3A_540 = vector.extract %slice3A_539[0] : f32 from vector<1xf32>
        %get3A_541 = arith.index_cast %add3A_538 : i32 to index
        %get3A_542 = arith.constant 0 : index
        %get3A_543 = tpu.vector_load %arg6[%get3A_541, %get3A_542] {strides = array<i32>} : memref<128x64xf32, #tpu.memory_space<vmem>>, vector<1x16xf32>,
        %get3A_544 = vector.shape_cast %get3A_543 : vector<1x16xf32> to vector<16xf32>
        %mul3A_545 = vector.broadcast %squeeze3A_540 : f32 to vector<16xf32>
        %mul3A_546 = arith.mulf %get3A_544, %mul3A_545 : vector<16xf32>
        %swap3A_547 = arith.index_cast %add3A_538 : i32 to index
        %swap3A_548 = arith.constant 0 : index
        %swap3A_549 = tpu.vector_load %arg6[%swap3A_547, %swap3A_548] {strides = array<i32>} : memref<128x64xf32, #tpu.memory_space<vmem>>, vector<1x16xf32>,
        %swap3A_550 = vector.shape_cast %swap3A_549 : vector<1x16xf32> to vector<16xf32>
        %swap3A_551 = vector.shape_cast %mul3A_546 : vector<16xf32> to vector<1x16xf32>
        tpu.vector_store %arg6[%swap3A_547, %swap3A_548], %swap3A_551 {strides = array<i32>} : memref<128x64xf32, #tpu.memory_space<vmem>>, vector<1x16xf32>,
        %get3A_552 = arith.index_cast %add3A_538 : i32 to index
        %get3A_553 = arith.constant 16 : index
        %get3A_554 = tpu.vector_load %arg6[%get3A_552, %get3A_553] {strides = array<i32>} : memref<128x64xf32, #tpu.memory_space<vmem>>, vector<1x16xf32>,
        %get3A_555 = vector.shape_cast %get3A_554 : vector<1x16xf32> to vector<16xf32>
        %mul3A_556 = vector.broadcast %squeeze3A_540 : f32 to vector<16xf32>
        %mul3A_557 = arith.mulf %get3A_555, %mul3A_556 : vector<16xf32>
        %swap3A_558 = arith.index_cast %add3A_538 : i32 to index
        %swap3A_559 = arith.constant 16 : index
        %swap3A_560 = tpu.vector_load %arg6[%swap3A_558, %swap3A_559] {strides = array<i32>} : memref<128x64xf32, #tpu.memory_space<vmem>>, vector<1x16xf32>,
        %swap3A_561 = vector.shape_cast %swap3A_560 : vector<1x16xf32> to vector<16xf32>
        %swap3A_562 = vector.shape_cast %mul3A_557 : vector<16xf32> to vector<1x16xf32>
        tpu.vector_store %arg6[%swap3A_558, %swap3A_559], %swap3A_562 {strides = array<i32>} : memref<128x64xf32, #tpu.memory_space<vmem>>, vector<1x16xf32>,
        %get3A_563 = arith.index_cast %add3A_538 : i32 to index
        %get3A_564 = arith.constant 32 : index
        %get3A_565 = tpu.vector_load %arg6[%get3A_563, %get3A_564] {strides = array<i32>} : memref<128x64xf32, #tpu.memory_space<vmem>>, vector<1x16xf32>,
        %get3A_566 = vector.shape_cast %get3A_565 : vector<1x16xf32> to vector<16xf32>
        %mul3A_567 = vector.broadcast %squeeze3A_540 : f32 to vector<16xf32>
        %mul3A_568 = arith.mulf %get3A_566, %mul3A_567 : vector<16xf32>
        %swap3A_569 = arith.index_cast %add3A_538 : i32 to index
        %swap3A_570 = arith.constant 32 : index
        %swap3A_571 = tpu.vector_load %arg6[%swap3A_569, %swap3A_570] {strides = array<i32>} : memref<128x64xf32, #tpu.memory_space<vmem>>, vector<1x16xf32>,
        %swap3A_572 = vector.shape_cast %swap3A_571 : vector<1x16xf32> to vector<16xf32>
        %swap3A_573 = vector.shape_cast %mul3A_568 : vector<16xf32> to vector<1x16xf32>
        tpu.vector_store %arg6[%swap3A_569, %swap3A_570], %swap3A_573 {strides = array<i32>} : memref<128x64xf32, #tpu.memory_space<vmem>>, vector<1x16xf32>,
        %get3A_574 = arith.index_cast %add3A_538 : i32 to index
        %get3A_575 = arith.constant 48 : index
        %get3A_576 = tpu.vector_load %arg6[%get3A_574, %get3A_575] {strides = array<i32>} : memref<128x64xf32, #tpu.memory_space<vmem>>, vector<1x16xf32>,
        %get3A_577 = vector.shape_cast %get3A_576 : vector<1x16xf32> to vector<16xf32>
        %mul3A_578 = vector.broadcast %squeeze3A_540 : f32 to vector<16xf32>
        %mul3A_579 = arith.mulf %get3A_577, %mul3A_578 : vector<16xf32>
        %swap3A_580 = arith.index_cast %add3A_538 : i32 to index
        %swap3A_581 = arith.constant 48 : index
        %swap3A_582 = tpu.vector_load %arg6[%swap3A_580, %swap3A_581] {strides = array<i32>} : memref<128x64xf32, #tpu.memory_space<vmem>>, vector<1x16xf32>,
        %swap3A_583 = vector.shape_cast %swap3A_582 : vector<1x16xf32> to vector<16xf32>
        %swap3A_584 = vector.shape_cast %mul3A_579 : vector<16xf32> to vector<1x16xf32>
        tpu.vector_store %arg6[%swap3A_580, %swap3A_581], %swap3A_584 {strides = array<i32>} : memref<128x64xf32, #tpu.memory_space<vmem>>, vector<1x16xf32>,
        %mul3A_585 = arith.constant 16 : i32
        %mul3A_586 = arith.muli %scan3A_28, %mul3A_585 : i32
        %add3A_587 = arith.constant 11 : i32
        %add3A_588 = arith.addi %mul3A_586, %add3A_587 : i32
        %slice3A_589 = vector.extract_strided_slice %select_n3A {offsets = [11], sizes = [1], strides = [1]} : vector<16xf32> to vector<1xf32>
        %squeeze3A_590 = vector.extract %slice3A_589[0] : f32 from vector<1xf32>
        %get3A_591 = arith.index_cast %add3A_588 : i32 to index
        %get3A_592 = arith.constant 0 : index
        %get3A_593 = tpu.vector_load %arg6[%get3A_591, %get3A_592] {strides = array<i32>} : memref<128x64xf32, #tpu.memory_space<vmem>>, vector<1x16xf32>,
        %get3A_594 = vector.shape_cast %get3A_593 : vector<1x16xf32> to vector<16xf32>
        %mul3A_595 = vector.broadcast %squeeze3A_590 : f32 to vector<16xf32>
        %mul3A_596 = arith.mulf %get3A_594, %mul3A_595 : vector<16xf32>
        %swap3A_597 = arith.index_cast %add3A_588 : i32 to index
        %swap3A_598 = arith.constant 0 : index
        %swap3A_599 = tpu.vector_load %arg6[%swap3A_597, %swap3A_598] {strides = array<i32>} : memref<128x64xf32, #tpu.memory_space<vmem>>, vector<1x16xf32>,
        %swap3A_600 = vector.shape_cast %swap3A_599 : vector<1x16xf32> to vector<16xf32>
        %swap3A_601 = vector.shape_cast %mul3A_596 : vector<16xf32> to vector<1x16xf32>
        tpu.vector_store %arg6[%swap3A_597, %swap3A_598], %swap3A_601 {strides = array<i32>} : memref<128x64xf32, #tpu.memory_space<vmem>>, vector<1x16xf32>,
        %get3A_602 = arith.index_cast %add3A_588 : i32 to index
        %get3A_603 = arith.constant 16 : index
        %get3A_604 = tpu.vector_load %arg6[%get3A_602, %get3A_603] {strides = array<i32>} : memref<128x64xf32, #tpu.memory_space<vmem>>, vector<1x16xf32>,
        %get3A_605 = vector.shape_cast %get3A_604 : vector<1x16xf32> to vector<16xf32>
        %mul3A_606 = vector.broadcast %squeeze3A_590 : f32 to vector<16xf32>
        %mul3A_607 = arith.mulf %get3A_605, %mul3A_606 : vector<16xf32>
        %swap3A_608 = arith.index_cast %add3A_588 : i32 to index
        %swap3A_609 = arith.constant 16 : index
        %swap3A_610 = tpu.vector_load %arg6[%swap3A_608, %swap3A_609] {strides = array<i32>} : memref<128x64xf32, #tpu.memory_space<vmem>>, vector<1x16xf32>,
        %swap3A_611 = vector.shape_cast %swap3A_610 : vector<1x16xf32> to vector<16xf32>
        %swap3A_612 = vector.shape_cast %mul3A_607 : vector<16xf32> to vector<1x16xf32>
        tpu.vector_store %arg6[%swap3A_608, %swap3A_609], %swap3A_612 {strides = array<i32>} : memref<128x64xf32, #tpu.memory_space<vmem>>, vector<1x16xf32>,
        %get3A_613 = arith.index_cast %add3A_588 : i32 to index
        %get3A_614 = arith.constant 32 : index
        %get3A_615 = tpu.vector_load %arg6[%get3A_613, %get3A_614] {strides = array<i32>} : memref<128x64xf32, #tpu.memory_space<vmem>>, vector<1x16xf32>,
        %get3A_616 = vector.shape_cast %get3A_615 : vector<1x16xf32> to vector<16xf32>
        %mul3A_617 = vector.broadcast %squeeze3A_590 : f32 to vector<16xf32>
        %mul3A_618 = arith.mulf %get3A_616, %mul3A_617 : vector<16xf32>
        %swap3A_619 = arith.index_cast %add3A_588 : i32 to index
        %swap3A_620 = arith.constant 32 : index
        %swap3A_621 = tpu.vector_load %arg6[%swap3A_619, %swap3A_620] {strides = array<i32>} : memref<128x64xf32, #tpu.memory_space<vmem>>, vector<1x16xf32>,
        %swap3A_622 = vector.shape_cast %swap3A_621 : vector<1x16xf32> to vector<16xf32>
        %swap3A_623 = vector.shape_cast %mul3A_618 : vector<16xf32> to vector<1x16xf32>
        tpu.vector_store %arg6[%swap3A_619, %swap3A_620], %swap3A_623 {strides = array<i32>} : memref<128x64xf32, #tpu.memory_space<vmem>>, vector<1x16xf32>,
        %get3A_624 = arith.index_cast %add3A_588 : i32 to index
        %get3A_625 = arith.constant 48 : index
        %get3A_626 = tpu.vector_load %arg6[%get3A_624, %get3A_625] {strides = array<i32>} : memref<128x64xf32, #tpu.memory_space<vmem>>, vector<1x16xf32>,
        %get3A_627 = vector.shape_cast %get3A_626 : vector<1x16xf32> to vector<16xf32>
        %mul3A_628 = vector.broadcast %squeeze3A_590 : f32 to vector<16xf32>
        %mul3A_629 = arith.mulf %get3A_627, %mul3A_628 : vector<16xf32>
        %swap3A_630 = arith.index_cast %add3A_588 : i32 to index
        %swap3A_631 = arith.constant 48 : index
        %swap3A_632 = tpu.vector_load %arg6[%swap3A_630, %swap3A_631] {strides = array<i32>} : memref<128x64xf32, #tpu.memory_space<vmem>>, vector<1x16xf32>,
        %swap3A_633 = vector.shape_cast %swap3A_632 : vector<1x16xf32> to vector<16xf32>
        %swap3A_634 = vector.shape_cast %mul3A_629 : vector<16xf32> to vector<1x16xf32>
        tpu.vector_store %arg6[%swap3A_630, %swap3A_631], %swap3A_634 {strides = array<i32>} : memref<128x64xf32, #tpu.memory_space<vmem>>, vector<1x16xf32>,
        %mul3A_635 = arith.constant 16 : i32
        %mul3A_636 = arith.muli %scan3A_28, %mul3A_635 : i32
        %add3A_637 = arith.constant 12 : i32
        %add3A_638 = arith.addi %mul3A_636, %add3A_637 : i32
        %slice3A_639 = vector.extract_strided_slice %select_n3A {offsets = [12], sizes = [1], strides = [1]} : vector<16xf32> to vector<1xf32>
        %squeeze3A_640 = vector.extract %slice3A_639[0] : f32 from vector<1xf32>
        %get3A_641 = arith.index_cast %add3A_638 : i32 to index
        %get3A_642 = arith.constant 0 : index
        %get3A_643 = tpu.vector_load %arg6[%get3A_641, %get3A_642] {strides = array<i32>} : memref<128x64xf32, #tpu.memory_space<vmem>>, vector<1x16xf32>,
        %get3A_644 = vector.shape_cast %get3A_643 : vector<1x16xf32> to vector<16xf32>
        %mul3A_645 = vector.broadcast %squeeze3A_640 : f32 to vector<16xf32>
        %mul3A_646 = arith.mulf %get3A_644, %mul3A_645 : vector<16xf32>
        %swap3A_647 = arith.index_cast %add3A_638 : i32 to index
        %swap3A_648 = arith.constant 0 : index
        %swap3A_649 = tpu.vector_load %arg6[%swap3A_647, %swap3A_648] {strides = array<i32>} : memref<128x64xf32, #tpu.memory_space<vmem>>, vector<1x16xf32>,
        %swap3A_650 = vector.shape_cast %swap3A_649 : vector<1x16xf32> to vector<16xf32>
        %swap3A_651 = vector.shape_cast %mul3A_646 : vector<16xf32> to vector<1x16xf32>
        tpu.vector_store %arg6[%swap3A_647, %swap3A_648], %swap3A_651 {strides = array<i32>} : memref<128x64xf32, #tpu.memory_space<vmem>>, vector<1x16xf32>,
        %get3A_652 = arith.index_cast %add3A_638 : i32 to index
        %get3A_653 = arith.constant 16 : index
        %get3A_654 = tpu.vector_load %arg6[%get3A_652, %get3A_653] {strides = array<i32>} : memref<128x64xf32, #tpu.memory_space<vmem>>, vector<1x16xf32>,
        %get3A_655 = vector.shape_cast %get3A_654 : vector<1x16xf32> to vector<16xf32>
        %mul3A_656 = vector.broadcast %squeeze3A_640 : f32 to vector<16xf32>
        %mul3A_657 = arith.mulf %get3A_655, %mul3A_656 : vector<16xf32>
        %swap3A_658 = arith.index_cast %add3A_638 : i32 to index
        %swap3A_659 = arith.constant 16 : index
        %swap3A_660 = tpu.vector_load %arg6[%swap3A_658, %swap3A_659] {strides = array<i32>} : memref<128x64xf32, #tpu.memory_space<vmem>>, vector<1x16xf32>,
        %swap3A_661 = vector.shape_cast %swap3A_660 : vector<1x16xf32> to vector<16xf32>
        %swap3A_662 = vector.shape_cast %mul3A_657 : vector<16xf32> to vector<1x16xf32>
        tpu.vector_store %arg6[%swap3A_658, %swap3A_659], %swap3A_662 {strides = array<i32>} : memref<128x64xf32, #tpu.memory_space<vmem>>, vector<1x16xf32>,
        %get3A_663 = arith.index_cast %add3A_638 : i32 to index
        %get3A_664 = arith.constant 32 : index
        %get3A_665 = tpu.vector_load %arg6[%get3A_663, %get3A_664] {strides = array<i32>} : memref<128x64xf32, #tpu.memory_space<vmem>>, vector<1x16xf32>,
        %get3A_666 = vector.shape_cast %get3A_665 : vector<1x16xf32> to vector<16xf32>
        %mul3A_667 = vector.broadcast %squeeze3A_640 : f32 to vector<16xf32>
        %mul3A_668 = arith.mulf %get3A_666, %mul3A_667 : vector<16xf32>
        %swap3A_669 = arith.index_cast %add3A_638 : i32 to index
        %swap3A_670 = arith.constant 32 : index
        %swap3A_671 = tpu.vector_load %arg6[%swap3A_669, %swap3A_670] {strides = array<i32>} : memref<128x64xf32, #tpu.memory_space<vmem>>, vector<1x16xf32>,
        %swap3A_672 = vector.shape_cast %swap3A_671 : vector<1x16xf32> to vector<16xf32>
        %swap3A_673 = vector.shape_cast %mul3A_668 : vector<16xf32> to vector<1x16xf32>
        tpu.vector_store %arg6[%swap3A_669, %swap3A_670], %swap3A_673 {strides = array<i32>} : memref<128x64xf32, #tpu.memory_space<vmem>>, vector<1x16xf32>,
        %get3A_674 = arith.index_cast %add3A_638 : i32 to index
        %get3A_675 = arith.constant 48 : index
        %get3A_676 = tpu.vector_load %arg6[%get3A_674, %get3A_675] {strides = array<i32>} : memref<128x64xf32, #tpu.memory_space<vmem>>, vector<1x16xf32>,
        %get3A_677 = vector.shape_cast %get3A_676 : vector<1x16xf32> to vector<16xf32>
        %mul3A_678 = vector.broadcast %squeeze3A_640 : f32 to vector<16xf32>
        %mul3A_679 = arith.mulf %get3A_677, %mul3A_678 : vector<16xf32>
        %swap3A_680 = arith.index_cast %add3A_638 : i32 to index
        %swap3A_681 = arith.constant 48 : index
        %swap3A_682 = tpu.vector_load %arg6[%swap3A_680, %swap3A_681] {strides = array<i32>} : memref<128x64xf32, #tpu.memory_space<vmem>>, vector<1x16xf32>,
        %swap3A_683 = vector.shape_cast %swap3A_682 : vector<1x16xf32> to vector<16xf32>
        %swap3A_684 = vector.shape_cast %mul3A_679 : vector<16xf32> to vector<1x16xf32>
        tpu.vector_store %arg6[%swap3A_680, %swap3A_681], %swap3A_684 {strides = array<i32>} : memref<128x64xf32, #tpu.memory_space<vmem>>, vector<1x16xf32>,
        %mul3A_685 = arith.constant 16 : i32
        %mul3A_686 = arith.muli %scan3A_28, %mul3A_685 : i32
        %add3A_687 = arith.constant 13 : i32
        %add3A_688 = arith.addi %mul3A_686, %add3A_687 : i32
        %slice3A_689 = vector.extract_strided_slice %select_n3A {offsets = [13], sizes = [1], strides = [1]} : vector<16xf32> to vector<1xf32>
        %squeeze3A_690 = vector.extract %slice3A_689[0] : f32 from vector<1xf32>
        %get3A_691 = arith.index_cast %add3A_688 : i32 to index
        %get3A_692 = arith.constant 0 : index
        %get3A_693 = tpu.vector_load %arg6[%get3A_691, %get3A_692] {strides = array<i32>} : memref<128x64xf32, #tpu.memory_space<vmem>>, vector<1x16xf32>,
        %get3A_694 = vector.shape_cast %get3A_693 : vector<1x16xf32> to vector<16xf32>
        %mul3A_695 = vector.broadcast %squeeze3A_690 : f32 to vector<16xf32>
        %mul3A_696 = arith.mulf %get3A_694, %mul3A_695 : vector<16xf32>
        %swap3A_697 = arith.index_cast %add3A_688 : i32 to index
        %swap3A_698 = arith.constant 0 : index
        %swap3A_699 = tpu.vector_load %arg6[%swap3A_697, %swap3A_698] {strides = array<i32>} : memref<128x64xf32, #tpu.memory_space<vmem>>, vector<1x16xf32>,
        %swap3A_700 = vector.shape_cast %swap3A_699 : vector<1x16xf32> to vector<16xf32>
        %swap3A_701 = vector.shape_cast %mul3A_696 : vector<16xf32> to vector<1x16xf32>
        tpu.vector_store %arg6[%swap3A_697, %swap3A_698], %swap3A_701 {strides = array<i32>} : memref<128x64xf32, #tpu.memory_space<vmem>>, vector<1x16xf32>,
        %get3A_702 = arith.index_cast %add3A_688 : i32 to index
        %get3A_703 = arith.constant 16 : index
        %get3A_704 = tpu.vector_load %arg6[%get3A_702, %get3A_703] {strides = array<i32>} : memref<128x64xf32, #tpu.memory_space<vmem>>, vector<1x16xf32>,
        %get3A_705 = vector.shape_cast %get3A_704 : vector<1x16xf32> to vector<16xf32>
        %mul3A_706 = vector.broadcast %squeeze3A_690 : f32 to vector<16xf32>
        %mul3A_707 = arith.mulf %get3A_705, %mul3A_706 : vector<16xf32>
        %swap3A_708 = arith.index_cast %add3A_688 : i32 to index
        %swap3A_709 = arith.constant 16 : index
        %swap3A_710 = tpu.vector_load %arg6[%swap3A_708, %swap3A_709] {strides = array<i32>} : memref<128x64xf32, #tpu.memory_space<vmem>>, vector<1x16xf32>,
        %swap3A_711 = vector.shape_cast %swap3A_710 : vector<1x16xf32> to vector<16xf32>
        %swap3A_712 = vector.shape_cast %mul3A_707 : vector<16xf32> to vector<1x16xf32>
        tpu.vector_store %arg6[%swap3A_708, %swap3A_709], %swap3A_712 {strides = array<i32>} : memref<128x64xf32, #tpu.memory_space<vmem>>, vector<1x16xf32>,
        %get3A_713 = arith.index_cast %add3A_688 : i32 to index
        %get3A_714 = arith.constant 32 : index
        %get3A_715 = tpu.vector_load %arg6[%get3A_713, %get3A_714] {strides = array<i32>} : memref<128x64xf32, #tpu.memory_space<vmem>>, vector<1x16xf32>,
        %get3A_716 = vector.shape_cast %get3A_715 : vector<1x16xf32> to vector<16xf32>
        %mul3A_717 = vector.broadcast %squeeze3A_690 : f32 to vector<16xf32>
        %mul3A_718 = arith.mulf %get3A_716, %mul3A_717 : vector<16xf32>
        %swap3A_719 = arith.index_cast %add3A_688 : i32 to index
        %swap3A_720 = arith.constant 32 : index
        %swap3A_721 = tpu.vector_load %arg6[%swap3A_719, %swap3A_720] {strides = array<i32>} : memref<128x64xf32, #tpu.memory_space<vmem>>, vector<1x16xf32>,
        %swap3A_722 = vector.shape_cast %swap3A_721 : vector<1x16xf32> to vector<16xf32>
        %swap3A_723 = vector.shape_cast %mul3A_718 : vector<16xf32> to vector<1x16xf32>
        tpu.vector_store %arg6[%swap3A_719, %swap3A_720], %swap3A_723 {strides = array<i32>} : memref<128x64xf32, #tpu.memory_space<vmem>>, vector<1x16xf32>,
        %get3A_724 = arith.index_cast %add3A_688 : i32 to index
        %get3A_725 = arith.constant 48 : index
        %get3A_726 = tpu.vector_load %arg6[%get3A_724, %get3A_725] {strides = array<i32>} : memref<128x64xf32, #tpu.memory_space<vmem>>, vector<1x16xf32>,
        %get3A_727 = vector.shape_cast %get3A_726 : vector<1x16xf32> to vector<16xf32>
        %mul3A_728 = vector.broadcast %squeeze3A_690 : f32 to vector<16xf32>
        %mul3A_729 = arith.mulf %get3A_727, %mul3A_728 : vector<16xf32>
        %swap3A_730 = arith.index_cast %add3A_688 : i32 to index
        %swap3A_731 = arith.constant 48 : index
        %swap3A_732 = tpu.vector_load %arg6[%swap3A_730, %swap3A_731] {strides = array<i32>} : memref<128x64xf32, #tpu.memory_space<vmem>>, vector<1x16xf32>,
        %swap3A_733 = vector.shape_cast %swap3A_732 : vector<1x16xf32> to vector<16xf32>
        %swap3A_734 = vector.shape_cast %mul3A_729 : vector<16xf32> to vector<1x16xf32>
        tpu.vector_store %arg6[%swap3A_730, %swap3A_731], %swap3A_734 {strides = array<i32>} : memref<128x64xf32, #tpu.memory_space<vmem>>, vector<1x16xf32>,
        %mul3A_735 = arith.constant 16 : i32
        %mul3A_736 = arith.muli %scan3A_28, %mul3A_735 : i32
        %add3A_737 = arith.constant 14 : i32
        %add3A_738 = arith.addi %mul3A_736, %add3A_737 : i32
        %slice3A_739 = vector.extract_strided_slice %select_n3A {offsets = [14], sizes = [1], strides = [1]} : vector<16xf32> to vector<1xf32>
        %squeeze3A_740 = vector.extract %slice3A_739[0] : f32 from vector<1xf32>
        %get3A_741 = arith.index_cast %add3A_738 : i32 to index
        %get3A_742 = arith.constant 0 : index
        %get3A_743 = tpu.vector_load %arg6[%get3A_741, %get3A_742] {strides = array<i32>} : memref<128x64xf32, #tpu.memory_space<vmem>>, vector<1x16xf32>,
        %get3A_744 = vector.shape_cast %get3A_743 : vector<1x16xf32> to vector<16xf32>
        %mul3A_745 = vector.broadcast %squeeze3A_740 : f32 to vector<16xf32>
        %mul3A_746 = arith.mulf %get3A_744, %mul3A_745 : vector<16xf32>
        %swap3A_747 = arith.index_cast %add3A_738 : i32 to index
        %swap3A_748 = arith.constant 0 : index
        %swap3A_749 = tpu.vector_load %arg6[%swap3A_747, %swap3A_748] {strides = array<i32>} : memref<128x64xf32, #tpu.memory_space<vmem>>, vector<1x16xf32>,
        %swap3A_750 = vector.shape_cast %swap3A_749 : vector<1x16xf32> to vector<16xf32>
        %swap3A_751 = vector.shape_cast %mul3A_746 : vector<16xf32> to vector<1x16xf32>
        tpu.vector_store %arg6[%swap3A_747, %swap3A_748], %swap3A_751 {strides = array<i32>} : memref<128x64xf32, #tpu.memory_space<vmem>>, vector<1x16xf32>,
        %get3A_752 = arith.index_cast %add3A_738 : i32 to index
        %get3A_753 = arith.constant 16 : index
        %get3A_754 = tpu.vector_load %arg6[%get3A_752, %get3A_753] {strides = array<i32>} : memref<128x64xf32, #tpu.memory_space<vmem>>, vector<1x16xf32>,
        %get3A_755 = vector.shape_cast %get3A_754 : vector<1x16xf32> to vector<16xf32>
        %mul3A_756 = vector.broadcast %squeeze3A_740 : f32 to vector<16xf32>
        %mul3A_757 = arith.mulf %get3A_755, %mul3A_756 : vector<16xf32>
        %swap3A_758 = arith.index_cast %add3A_738 : i32 to index
        %swap3A_759 = arith.constant 16 : index
        %swap3A_760 = tpu.vector_load %arg6[%swap3A_758, %swap3A_759] {strides = array<i32>} : memref<128x64xf32, #tpu.memory_space<vmem>>, vector<1x16xf32>,
        %swap3A_761 = vector.shape_cast %swap3A_760 : vector<1x16xf32> to vector<16xf32>
        %swap3A_762 = vector.shape_cast %mul3A_757 : vector<16xf32> to vector<1x16xf32>
        tpu.vector_store %arg6[%swap3A_758, %swap3A_759], %swap3A_762 {strides = array<i32>} : memref<128x64xf32, #tpu.memory_space<vmem>>, vector<1x16xf32>,
        %get3A_763 = arith.index_cast %add3A_738 : i32 to index
        %get3A_764 = arith.constant 32 : index
        %get3A_765 = tpu.vector_load %arg6[%get3A_763, %get3A_764] {strides = array<i32>} : memref<128x64xf32, #tpu.memory_space<vmem>>, vector<1x16xf32>,
        %get3A_766 = vector.shape_cast %get3A_765 : vector<1x16xf32> to vector<16xf32>
        %mul3A_767 = vector.broadcast %squeeze3A_740 : f32 to vector<16xf32>
        %mul3A_768 = arith.mulf %get3A_766, %mul3A_767 : vector<16xf32>
        %swap3A_769 = arith.index_cast %add3A_738 : i32 to index
        %swap3A_770 = arith.constant 32 : index
        %swap3A_771 = tpu.vector_load %arg6[%swap3A_769, %swap3A_770] {strides = array<i32>} : memref<128x64xf32, #tpu.memory_space<vmem>>, vector<1x16xf32>,
        %swap3A_772 = vector.shape_cast %swap3A_771 : vector<1x16xf32> to vector<16xf32>
        %swap3A_773 = vector.shape_cast %mul3A_768 : vector<16xf32> to vector<1x16xf32>
        tpu.vector_store %arg6[%swap3A_769, %swap3A_770], %swap3A_773 {strides = array<i32>} : memref<128x64xf32, #tpu.memory_space<vmem>>, vector<1x16xf32>,
        %get3A_774 = arith.index_cast %add3A_738 : i32 to index
        %get3A_775 = arith.constant 48 : index
        %get3A_776 = tpu.vector_load %arg6[%get3A_774, %get3A_775] {strides = array<i32>} : memref<128x64xf32, #tpu.memory_space<vmem>>, vector<1x16xf32>,
        %get3A_777 = vector.shape_cast %get3A_776 : vector<1x16xf32> to vector<16xf32>
        %mul3A_778 = vector.broadcast %squeeze3A_740 : f32 to vector<16xf32>
        %mul3A_779 = arith.mulf %get3A_777, %mul3A_778 : vector<16xf32>
        %swap3A_780 = arith.index_cast %add3A_738 : i32 to index
        %swap3A_781 = arith.constant 48 : index
        %swap3A_782 = tpu.vector_load %arg6[%swap3A_780, %swap3A_781] {strides = array<i32>} : memref<128x64xf32, #tpu.memory_space<vmem>>, vector<1x16xf32>,
        %swap3A_783 = vector.shape_cast %swap3A_782 : vector<1x16xf32> to vector<16xf32>
        %swap3A_784 = vector.shape_cast %mul3A_779 : vector<16xf32> to vector<1x16xf32>
        tpu.vector_store %arg6[%swap3A_780, %swap3A_781], %swap3A_784 {strides = array<i32>} : memref<128x64xf32, #tpu.memory_space<vmem>>, vector<1x16xf32>,
        %mul3A_785 = arith.constant 16 : i32
        %mul3A_786 = arith.muli %scan3A_28, %mul3A_785 : i32
        %add3A_787 = arith.constant 15 : i32
        %add3A_788 = arith.addi %mul3A_786, %add3A_787 : i32
        %slice3A_789 = vector.extract_strided_slice %select_n3A {offsets = [15], sizes = [1], strides = [1]} : vector<16xf32> to vector<1xf32>
        %squeeze3A_790 = vector.extract %slice3A_789[0] : f32 from vector<1xf32>
        %get3A_791 = arith.index_cast %add3A_788 : i32 to index
        %get3A_792 = arith.constant 0 : index
        %get3A_793 = tpu.vector_load %arg6[%get3A_791, %get3A_792] {strides = array<i32>} : memref<128x64xf32, #tpu.memory_space<vmem>>, vector<1x16xf32>,
        %get3A_794 = vector.shape_cast %get3A_793 : vector<1x16xf32> to vector<16xf32>
        %mul3A_795 = vector.broadcast %squeeze3A_790 : f32 to vector<16xf32>
        %mul3A_796 = arith.mulf %get3A_794, %mul3A_795 : vector<16xf32>
        %swap3A_797 = arith.index_cast %add3A_788 : i32 to index
        %swap3A_798 = arith.constant 0 : index
        %swap3A_799 = tpu.vector_load %arg6[%swap3A_797, %swap3A_798] {strides = array<i32>} : memref<128x64xf32, #tpu.memory_space<vmem>>, vector<1x16xf32>,
        %swap3A_800 = vector.shape_cast %swap3A_799 : vector<1x16xf32> to vector<16xf32>
        %swap3A_801 = vector.shape_cast %mul3A_796 : vector<16xf32> to vector<1x16xf32>
        tpu.vector_store %arg6[%swap3A_797, %swap3A_798], %swap3A_801 {strides = array<i32>} : memref<128x64xf32, #tpu.memory_space<vmem>>, vector<1x16xf32>,
        %get3A_802 = arith.index_cast %add3A_788 : i32 to index
        %get3A_803 = arith.constant 16 : index
        %get3A_804 = tpu.vector_load %arg6[%get3A_802, %get3A_803] {strides = array<i32>} : memref<128x64xf32, #tpu.memory_space<vmem>>, vector<1x16xf32>,
        %get3A_805 = vector.shape_cast %get3A_804 : vector<1x16xf32> to vector<16xf32>
        %mul3A_806 = vector.broadcast %squeeze3A_790 : f32 to vector<16xf32>
        %mul3A_807 = arith.mulf %get3A_805, %mul3A_806 : vector<16xf32>
        %swap3A_808 = arith.index_cast %add3A_788 : i32 to index
        %swap3A_809 = arith.constant 16 : index
        %swap3A_810 = tpu.vector_load %arg6[%swap3A_808, %swap3A_809] {strides = array<i32>} : memref<128x64xf32, #tpu.memory_space<vmem>>, vector<1x16xf32>,
        %swap3A_811 = vector.shape_cast %swap3A_810 : vector<1x16xf32> to vector<16xf32>
        %swap3A_812 = vector.shape_cast %mul3A_807 : vector<16xf32> to vector<1x16xf32>
        tpu.vector_store %arg6[%swap3A_808, %swap3A_809], %swap3A_812 {strides = array<i32>} : memref<128x64xf32, #tpu.memory_space<vmem>>, vector<1x16xf32>,
        %get3A_813 = arith.index_cast %add3A_788 : i32 to index
        %get3A_814 = arith.constant 32 : index
        %get3A_815 = tpu.vector_load %arg6[%get3A_813, %get3A_814] {strides = array<i32>} : memref<128x64xf32, #tpu.memory_space<vmem>>, vector<1x16xf32>,
        %get3A_816 = vector.shape_cast %get3A_815 : vector<1x16xf32> to vector<16xf32>
        %mul3A_817 = vector.broadcast %squeeze3A_790 : f32 to vector<16xf32>
        %mul3A_818 = arith.mulf %get3A_816, %mul3A_817 : vector<16xf32>
        %swap3A_819 = arith.index_cast %add3A_788 : i32 to index
        %swap3A_820 = arith.constant 32 : index
        %swap3A_821 = tpu.vector_load %arg6[%swap3A_819, %swap3A_820] {strides = array<i32>} : memref<128x64xf32, #tpu.memory_space<vmem>>, vector<1x16xf32>,
        %swap3A_822 = vector.shape_cast %swap3A_821 : vector<1x16xf32> to vector<16xf32>
        %swap3A_823 = vector.shape_cast %mul3A_818 : vector<16xf32> to vector<1x16xf32>
        tpu.vector_store %arg6[%swap3A_819, %swap3A_820], %swap3A_823 {strides = array<i32>} : memref<128x64xf32, #tpu.memory_space<vmem>>, vector<1x16xf32>,
        %get3A_824 = arith.index_cast %add3A_788 : i32 to index
        %get3A_825 = arith.constant 48 : index
        %get3A_826 = tpu.vector_load %arg6[%get3A_824, %get3A_825] {strides = array<i32>} : memref<128x64xf32, #tpu.memory_space<vmem>>, vector<1x16xf32>,
        %get3A_827 = vector.shape_cast %get3A_826 : vector<1x16xf32> to vector<16xf32>
        %mul3A_828 = vector.broadcast %squeeze3A_790 : f32 to vector<16xf32>
        %mul3A_829 = arith.mulf %get3A_827, %mul3A_828 : vector<16xf32>
        %swap3A_830 = arith.index_cast %add3A_788 : i32 to index
        %swap3A_831 = arith.constant 48 : index
        %swap3A_832 = tpu.vector_load %arg6[%swap3A_830, %swap3A_831] {strides = array<i32>} : memref<128x64xf32, #tpu.memory_space<vmem>>, vector<1x16xf32>,
        %swap3A_833 = vector.shape_cast %swap3A_832 : vector<1x16xf32> to vector<16xf32>
        %swap3A_834 = vector.shape_cast %mul3A_829 : vector<16xf32> to vector<1x16xf32>
        tpu.vector_store %arg6[%swap3A_830, %swap3A_831], %swap3A_834 {strides = array<i32>} : memref<128x64xf32, #tpu.memory_space<vmem>>, vector<1x16xf32>,
      }
      %scan3A_24 = arith.constant 8 : i32
      %mul3A_25 = arith.constant 128 : i32
      %mul3A_26 = arith.muli %scan3A_8, %mul3A_25 : i32
      %add3A_27 = arith.addi %mul3A_2, %mul3A_26 : i32
      "tpu.region"() ({
        %run_scoped3A = tpu.sem_alloc : memref<!tpu.dma_semaphore, #tpu.memory_space<semaphore_mem>>
        %dma_start3A_28 = arith.constant 0 : i32
        %dma_start3A_29 = tpu.memref_slice %arg4[%add3A_27, %dma_start3A_28] : memref<204800x64xf32, #tpu.memory_space<hbm>> -> memref<128x64xf32, #tpu.memory_space<hbm>>
        %dma_start3A_30 = arith.constant 0 : i32
        %dma_start3A_31 = tpu.memref_slice %arg4[%add3A_27, %dma_start3A_30] : memref<204800x64xf32, #tpu.memory_space<hbm>> -> memref<128x64xf32, #tpu.memory_space<hbm>>
        tpu.enqueue_dma source(%arg6 : memref<128x64xf32, #tpu.memory_space<vmem>>) target(%dma_start3A_31 : memref<128x64xf32, #tpu.memory_space<hbm>>) target_semaphore(%run_scoped3A : memref<!tpu.dma_semaphore, #tpu.memory_space<semaphore_mem>>)
        %dma_wait3A_32 = arith.constant 0 : i32
        %dma_wait3A_33 = tpu.memref_slice %arg4[%add3A_27, %dma_wait3A_32] : memref<204800x64xf32, #tpu.memory_space<hbm>> -> memref<128x64xf32, #tpu.memory_space<hbm>>
        %dma_wait3A_34 = arith.constant 0 : i32
        %dma_wait3A_35 = tpu.memref_slice %arg4[%add3A_27, %dma_wait3A_34] : memref<204800x64xf32, #tpu.memory_space<hbm>> -> memref<128x64xf32, #tpu.memory_space<hbm>>
        tpu.wait_dma2 semaphore(%run_scoped3A : memref<!tpu.dma_semaphore, #tpu.memory_space<semaphore_mem>>) src(%arg6 : memref<128x64xf32, #tpu.memory_space<vmem>>) dst(%dma_wait3A_35 : memref<128x64xf32, #tpu.memory_space<hbm>>)
        tpu.yield
      }) : () -> ()
    }
    %scan3A_7 = arith.constant 50 : i32
    return
  }
}

</mosaic_0001>

<sc_bundles>
// kernel: kernel.3.cloned.1.call-start
scs
__scs_entry_jumppad:
0x0: {  	(pc) =	sbr.rel $0x88, $3  }
0x1: {  	(tag) =	ssettag $0x0;
	lr =	simm.s32 $0x1  }
0x2: {  	[smem:$0x3F9F] =	sst lr;
	_ =	strace $0xD0000000  }
0x3: {  	_ = 	snop  }
0x4: {  	_ = 	snop  }
0x5: {  	_ = 	snop  }
0x6: {  	_ = 	snop  }
0x7: {  	_ = 	snop  }
__scs_overlays_trampoline_lowered:
0x8: {  	[smem:$0x3FAE] =	sst s0  }
0x9: {  	[smem:$0x3FAF] =	sst s1  }
0xa: {  	[smem:$0x3FB0] =	sst s2  }
0xb: {  	[smem:$0x3FB1] =	sst s3  }
0xc: {  	[smem:$0x3FB2] =	sst s4  }
0xd: {  	[smem:$0x3FB3] =	sst s5  }
0xe: {  	[smem:$0x3FB4] =	sst s6  }
0xf: {  	[smem:$0x3FB5] =	sst s7  }
0x10: {  	[smem:$0x3FB6] =	sst s8  }
0x11: {  	[smem:$0x3FB7] =	sst s9;
	s0 =	simm.s32 @!p0 $0x0  }
0x12: {  	s1 =	sld [smem:$0x3F9D];
	s0 =	simm.s32 @p0 $0x1  }
0x13: {  	[smem:$0x3FB8] =	sst s0;
	s0 =	simm.s32 @!p1 $0x0  }
0x14: {  	s2 =	sld [smem:$0x3F9C];
	s0 =	simm.s32 @p1 $0x1  }
0x15: {  	[smem:$0x3FB9] =	sst s0;
	s0 =	simm.s32 @!p2 $0x0  }
0x16: {  	s3 =	sld [smem:$0x3FDB];
	s0 =	simm.s32 @p2 $0x1  }
0x17: {  	s4 =	simm.s32 $0x1BF5;
	[smem:$0x3FBB] =	sst s0  }
0x18: {  	s0 =	sld [smem:$0x3F9E];
	_ =	swait.ge [sflag:s4], $0x0  }
0x19: {  	s7 =	sld [smem:$0x3F9F]  }
0x1a: {  	s8 =	sadd.s32 $0xFFFFE003, lr  }
0x1b: {  	s9 =	sadd.s32 $0xFFFFFEF7, lr;
	s5 =	simm.s32 $0xFFFFFFFF;
	p2 =	slt.u32 s8, $0xFFFFF086  }
0x1c: {  	p1 =	slt.u32 s9, $0xF7A;
	s5 =	simm.s32 @!p2 $0x0  }
0x1d: {  	s5 =	simm.s32 @p1 $0x1;
	p0 =	seq.s32 s7, s2  }
0x1e: {  	s7 =	smul.u32 @!p0 $0xF7A, s2;
	p2 =	seq.s32 @!p0 s5, $0x0  }
0x1f: {  	s9 =	smul.u32 $0xF7A, s1;
	s8 =	simm.s32 @!p0 $0x1BF5;
	p2 =	por !p2, p0  }
0x20: {  	[sflag:s8] =	ssyncset.s32 @!p0 $0xFFFFF086;
	s6 =	sadd.s32 @!p0 s3, s7;
	s7 =	simm.s32 @!p0 $0x108  }
0x21: {  	s3 =	sadd.s32 s3, s9;
	s6 =	sadd.s32 @!p0 $0x88, s6;
	s7 =	simm.s32 @p2 $0x1082  }
0x22: {  	[simem:s7], [sflag:s8] =	dma.local @!p0 [hbm:s6], $0xF7A  }
0x23: {  	s9 =	sor.u32 $0xD0000000, s2;
	s6 =	simm.s32 $0x108;
	_ =	swait.ge @!p0 [sflag:s8], $0x0  }
0x24: {  	s3 =	sadd.s32 $0x88, s3;
	s6 =	simm.s32 @!p1 $0x1082;
	[sflag:s4] =	ssyncset.s32 $0xFFFFF086  }
0x25: {  	[simem:s6], [sflag:s4] =	dma.local [hbm:s3], $0xF7A  }
0x26: {  	[smem:$0x3F9F] =	sst s1;
	(tag) =	ssettag s2;
	_ =	strace s9  }
0x27: {  	s1 =	sld [smem:$0x3FAF]  }
0x28: {  	s2 =	sld [smem:$0x3FB0]  }
0x29: {  	s4 =	sld [smem:$0x3FB2]  }
0x2a: {  	p0 =	seq.s32 s5, $0x0;
	s5 =	sld [smem:$0x3FB3]  }
0x2b: {  	s6 =	sld [smem:$0x3FB4]  }
0x2c: {  	s7 =	sld [smem:$0x3FB5]  }
0x2d: {  	s3 =	simm.s32 $0x108;
	s8 =	sld [smem:$0x3FB6]  }
0x2e: {  	s3 =	simm.s32 @!p0 $0x1082;
	s9 =	sld [smem:$0x3FB7]  }
0x2f: {  	lr =	sadd.s32 s0, s3;
	s0 =	sld [smem:$0x3FAE]  }
0x30: {  	s3 =	sld [smem:$0x3FB1]  }
0x31: {  	[smem:$0x3FBA] =	sst s10  }
0x32: {  	s10 =	sld [smem:$0x3FB8];
	_ =	sdelay $0x3  }
0x33: {  	p0 =	seq.s32 s10, $0x1;
	s10 =	sld [smem:$0x3FBA];
	_ =	sdelay $0x3  }
0x34: {  	[smem:$0x3FBA] =	sst s10  }
0x35: {  	s10 =	sld [smem:$0x3FB9];
	_ =	sdelay $0x3  }
0x36: {  	p1 =	seq.s32 s10, $0x1;
	s10 =	sld [smem:$0x3FBA];
	_ =	sdelay $0x3  }
0x37: {  	[smem:$0x3FBA] =	sst s10  }
0x38: {  	s10 =	sld [smem:$0x3FBB]  }
0x39: {  	_ = 	snop;
	(pc) =	sbr.ind lr, $3  }
0x3a: {  	_ = 	snop  }
0x3b: {  	_ = 	snop  }
0x3c: {  	p2 =	seq.s32 s10, $0x1;
	s10 =	sld [smem:$0x3FBA]  }
0x3d: {  	_ =	shalt  }
0x3e: {  	_ =	shalt  }
0x3f: {  	_ =	shalt  }
0x40: {  	_ =	shalt  }
0x41: {  	_ =	shalt  }
0x42: {  	_ =	shalt  }
0x43: {  	_ =	shalt  }
0x44: {  	_ =	shalt  }
0x45: {  	_ =	shalt  }
0x46: {  	_ =	shalt  }
0x47: {  	_ =	shalt  }
0x48: {  	_ =	shalt  }
0x49: {  	_ =	shalt  }
0x4a: {  	_ =	shalt  }
0x4b: {  	_ =	shalt  }
0x4c: {  	_ =	shalt  }
0x4d: {  	_ =	shalt  }
0x4e: {  	_ =	shalt  }
0x4f: {  	_ =	shalt  }
0x50: {  	_ =	shalt  }
0x51: {  	_ =	shalt  }
0x52: {  	_ =	shalt  }
0x53: {  	_ =	shalt  }
0x54: {  	_ =	shalt  }
0x55: {  	_ =	shalt  }
0x56: {  	_ =	shalt  }
0x57: {  	_ =	shalt  }
0x58: {  	_ =	shalt  }
0x59: {  	_ =	shalt  }
0x5a: {  	_ =	shalt  }
0x5b: {  	_ =	shalt  }
0x5c: {  	_ =	shalt  }
0x5d: {  	_ =	shalt  }
0x5e: {  	_ =	shalt  }
0x5f: {  	_ =	shalt  }
0x60: {  	_ =	shalt  }
0x61: {  	_ =	shalt  }
0x62: {  	_ =	shalt  }
0x63: {  	_ =	shalt  }
0x64: {  	_ =	shalt  }
0x65: {  	_ =	shalt  }
0x66: {  	_ =	shalt  }
0x67: {  	_ =	shalt  }
0x68: {  	_ =	shalt  }
0x69: {  	_ =	shalt  }
0x6a: {  	_ =	shalt  }
0x6b: {  	_ =	shalt  }
0x6c: {  	_ =	shalt  }
0x6d: {  	_ =	shalt  }
0x6e: {  	_ =	shalt  }
0x6f: {  	_ =	shalt  }
0x70: {  	_ =	shalt  }
0x71: {  	_ =	shalt  }
0x72: {  	_ =	shalt  }
0x73: {  	_ =	shalt  }
0x74: {  	_ =	shalt  }
0x75: {  	_ =	shalt  }
0x76: {  	_ =	shalt  }
0x77: {  	_ =	shalt  }
0x78: {  	_ =	shalt  }
0x79: {  	_ =	shalt  }
0x7a: {  	_ =	shalt  }
0x7b: {  	_ =	shalt  }
0x7c: {  	_ =	shalt  }
0x7d: {  	_ =	shalt  }
0x7e: {  	_ =	shalt  }
0x7f: {  	_ =	shalt  }
0x80: {  	_ =	shalt  }
0x81: {  	_ =	shalt  }
0x82: {  	_ =	shalt  }
0x83: {  	_ =	shalt  }
0x84: {  	_ =	shalt  }
0x85: {  	_ =	shalt  }
0x86: {  	_ =	shalt  }
0x87: {  	_ =	shalt  }
.Lfunc_end0:
.L_simem_size_0:
called_computation.1_lowered:
.L_overlay_start_0:
0x88: {  	s2 =	sld [smem:$0x3FD9]  }
0x89: {  	s3 =	sld [smem:$0x3FFE];
	_ =	sdelay $0x1  }
0x8a: {  	s1 =	srdreg.scid  }
0x8b: {  	s0 =	sand.u32 $0x1, s1  }
0x8c: {  	s17 =	sshll.u32 s0, $0xA;
	s2 =	sadd.s32 s3, s2  }
0x8d: {  	s2 =	sadd.s32 s2, s17  }
0x8e: {  	[smem:$0x3FC6] =	sst s2  }
0x8f: {  	_ = 	snop  }
0x90: {  	s2 =	sld [smem:$0x3FD0];
	(tm) =	ssettm $0x1  }
0x91: {  	s18 =	sld [smem:$0x3FFB];
	_ =	sdelay $0x3  }
0x92: {  	_ =	strace s18  }
0x93: {  	s3 =	sld [smem:$0x3FFC];
	_ =	sdelay $0x3  }
0x94: {  	_ =	strace s3  }
0x95: {  	s3 =	sld [smem:$0x3FFD];
	_ =	sdelay $0x3  }
0x96: {  	_ =	strace s3  }
0x97: {  	_ =	strace $0x8FFFFFFF  }
0x98: {  	s19 =	sld [smem:$0x3FDB];
	_ =	sdelay $0x1  }
0x99: {  	s4 =	simm.s32 $_scs_section_size  }
0x9a: {  	s5 =	simm.s32 $_size__tile_overlayer_lowered;
	s6 =	simm.s32 $_tile_overlayer_lowered  }
0x9b: {  	s22 =	simm.s32 $0x1BFF;
	s21 =	sshll.u32 s6, $0x1;
	s3 =	sadd.s32 s4, s19  }
0x9c: {  	s7 =	simm.s32 $0x0;
	s20 =	sshll.u32 s5, $0x1;
	s5 =	sadd.s32 s21, s3  }
0x9d: {  	[timem:s7], [sflag:s22] =	dma.local [hbm:s5], s20  }
0x9e: {  	_ =	swait.ge [sflag:s22], s20  }
0x9f: {  	s4 =	ssub.s32 $0x0, s20;
	[sflag:s22] =	ssyncset.done $0x0  }
0xa0: {  	[sflag:s22] =	ssyncadd.s32 s4;
	_ =	sdelay $0x1  }
0xa1: {  	s23 =	simm.s32 $0x1B8B  }
0xa2: {  	_ =	swait.ge [sflag:s23], $0x1  }
0xa3: {  	[sflag:s23] =	ssyncset.done $0x0  }
0xa4: {  	s25 =	simm.s32 $0x1B8E;
	s24 =	sld [smem:$0x3FFE];
	[sflag:s23] =	ssyncadd.s32 $0xFFFFFFFF  }
0xa5: {  	s26 =	simm.s32 $execute0_lowered;
	[smem:$0x3FD2] =	sst s25  }
0xa6: {  	s5 =	sshll.u32 s26, $0x1;
	_ =	strace $0x80000046;
	[dreg:$0x1] =	wrdreg $0xFFFFFFFF  }
0xa7: {  	s28 =	simm.s32 $_size_execute0_lowered;
	s3 =	sadd.s32 s3, s5;
	[dreg:$0x0] =	wrdreg $0x0  }
0xa8: {  	s5 =	sshll.u32 s28, $0x1;
	[dreg:$0x2] =	wrdreg s3  }
0xa9: {  	[dreg:$0x3] =	wrdreg s5  }
0xaa: {  	[dreg:$0x4] =	wrdreg $0xC0  }
0xab: {  	_ =	task [dreg:s7], $0x5FFFF  }
0xac: {  	[dreg:$0x1] =	wrdreg $0xFFFFFFFF  }
0xad: {  	[dreg:$0x0] =	wrdreg $0x60  }
0xae: {  	[dreg:$0x2] =	wrdreg s24  }
0xaf: {  	[dreg:$0x3] =	wrdreg s2  }
0xb0: {  	[dreg:$0x4] =	wrdreg $0x9  }
0xb1: {  	_ =	task.clear_ibuf [dreg:s7], $0x5FFFF;
	_ =	strace $0x90000046  }
0xb2: {  	s29 =	simm.s32 $0x9;
	_ =	strace $0x80000048  }
0xb3: {  	_ =	swait.ge [sflag:s29], $0x1  }
0xb4: {  	[sflag:s29] =	ssyncadd.s32 $0xFFFFFFFF  }
0xb5: {  	_ =	strace $0x90000048  }
0xb6: {  	_ =	sfence  }
0xb7: {  	s30 =	sld [smem:$0x0];
	_ =	sdelay $0x2  }
0xb8: {  	s31 =	sshll.u32 s1, $0xD;
	s1 =	sshrl.u32 s1, $0x2  }
0xb9: {  	s3 =	sand.u32 $0x4000, s31;
	s1 =	sadd.s32 s1, s30  }
0xba: {  	s0 =	sor.u32 s3, s0;
	s1 =	sshll.u32 s1, $0x11  }
0xbb: {  	s0 =	sor.u32 s1, s0  }
0xbc: {  	s0 =	sadd.s32 $0x8F2B, s0  }
0xbd: {  	[sflag:s0] =	ssyncadd.remote.s32 $0x1  }
0xbe: {  	_ =	sfence.sel $0xFFFF  }
0xbf: {  	[dreg:$0x0] =	wrdreg $0xFFFFFFFF;
	(pc) =	sbr.abs _section_cstart, $3  }
0xc0: {  	[dreg:$0x1] =	wrdreg $0xFFFFFFFF  }
0xc1: {  	_ =	task.clear_ibuf [dreg:s7], $0x2FFFF;
	_ =	strace $0x9FFFFFFF  }
0xc2: {  	(tm) =	ssettm $0x7FFFFFFF  }
0xc3: {  	_ =	shalt  }
tec
execute0_lowered:
.L_overlay_start_1:
0x0: {  	(tag) =	ssettag $0x1  }
0x1: {  	s1 =	srdreg.scid;
	s6 =	rddreg [dreg:$0x0]  }
0x2: {  	s0 =	stileid.u32;
	s2 =	rddreg [dreg:$0x1]  }
0x3: {  	s4 =	simm.s32 $0x0;
	s5 =	sand.u32 $0x1, s1;
	s31 =	sshll.u32 s0, $0x1  }
0x4: {  	s10 =	simm.s32 $0x1900;
	s11 =	simm.s32 $0x1;
	s1 =	sor.u32 s5, s31  }
0x5: {  	s12 =	simm.s32 $0x0;
	[smem:$0x7FF] =	sst s4;
	s3 =	smul.u32 $0x1900, s1  }
0x6: {  	s8 =	ssub.s32 $0x2, s5;
	s5 =	sadd.s32 $0xF42E00, s6;
	s1 =	rddreg [dreg:$0x2]  }
0x7: {  	_ =	strace $0x80000047;
	s9 =	sshrl.u32 s8, $0x1;
	s7 =	sshrl.u32 s3, $0x3  }
0x8: {  	s8 =	ssub.s32 s8, s9;
	s9 =	simm.s32 $0x80;
	s7 =	sadd.s32 s7, s6  }
0x9: {  	v0 =	vimm.f32 $8.000000000e+00;
	s6 =	sadd.s32 $0xA00, s7;
	s7 =	smax.u32 s8, $0x1;
	s8 =	simm.s32 $0x2  }
.LBB2_1:
0xa: {  	[tilespmem:s4], [sflag:$0x2] =	stream.linear.gather [hbm4b:s6+s4], $0x1900, $0x38;
	[tilespmem:$0x3900] =	vst v63  }
0xb: {  	_ =	swait.ge [sflag:s8], $0x1900  }
0xc: {  	[sflag:s8] =	ssyncset.done $0x0  }
0xd: {  	s13 =	simm.s32 $0x0;
	s14 =	simm.s32 $0x0;
	[sflag:s8] =	ssyncadd.s32 $0xFFFFE700  }
.LBB2_2:
0xe: {  	s15 =	sshll.u32 s14, $0x7  }
0xf: {  	v1 =	vmov s13;
	[tilespmem:s10], [sflag:$0x1] =	stream.indirect.gather [hbm4b:s5+s9], $0x40, s15, s9, $0xb8;
	[tilespmem:$0x3900] =	vst v63  }
0x10: {  	_ =	swait.ge [sflag:s11], $0x2000  }
0x11: {  	[sflag:s11] =	ssyncset.done $0x0  }
0x12: {  	s16 =	simm.s32 $0x0;
	s17 =	simm.s32 $0x1B00;
	[sflag:s11] =	ssyncadd.s32 $0xFFFFE000  }
.LBB2_3:
0x13: {  	s18 =	sshra.s32 s16, $0x2  }
0x14: {  	v2 =	vld.idx.msk [tilespmem:v1+s18+$0x0 ss:$0x1], $0xffff;
	_ =	sdelay $0x3  }
0x15: {  	v3 =	vld [tilespmem:s17+$0xFFFFFE00]  }
0x16: {  	vm0 =	veq.s32 v2, $0x0  }
0x17: {  	v2 =	vsel vm0, $0x0, v0  }
0x18: {  	v4 =	vbroadcast v2, $0x0;
	_ =	sdelay $0x1  }
0x19: {  	v3 =	vmul.f32 v4, v3;
	_ =	sdelay $0x1  }
0x1a: {  	[tilespmem:s17+$0xFFFFFE00] =	vst v3;
	v3 =	vld [tilespmem:s17+$0xFFFFFE10];
	_ =	sdelay $0x4  }
0x1b: {  	v3 =	vmul.f32 v4, v3;
	_ =	sdelay $0x1  }
0x1c: {  	[tilespmem:s17+$0xFFFFFE10] =	vst v3;
	v3 =	vld [tilespmem:s17+$0xFFFFFE20];
	_ =	sdelay $0x4  }
0x1d: {  	v3 =	vmul.f32 v3, v4;
	_ =	sdelay $0x1  }
0x1e: {  	[tilespmem:s17+$0xFFFFFE20] =	vst v3;
	v3 =	vld [tilespmem:s17+$0xFFFFFE30];
	_ =	sdelay $0x4  }
0x1f: {  	v3 =	vmul.f32 v3, v4;
	_ =	sdelay $0x1  }
0x20: {  	[tilespmem:s17+$0xFFFFFE30] =	vst v3;
	v3 =	vld [tilespmem:s17+$0xFFFFFE40];
	_ =	sdelay $0x2  }
0x21: {  	v50 =	vbroadcast v2, $0x1;
	_ =	sdelay $0x1  }
0x22: {  	v3 =	vmul.f32 v3, v50;
	_ =	sdelay $0x1  }
0x23: {  	[tilespmem:s17+$0xFFFFFE40] =	vst v3;
	v3 =	vld [tilespmem:s17+$0xFFFFFE50];
	_ =	sdelay $0x4  }
0x24: {  	v3 =	vmul.f32 v3, v50;
	_ =	sdelay $0x1  }
0x25: {  	[tilespmem:s17+$0xFFFFFE50] =	vst v3;
	v3 =	vld [tilespmem:s17+$0xFFFFFE60];
	_ =	sdelay $0x4  }
0x26: {  	v3 =	vmul.f32 v3, v50;
	_ =	sdelay $0x1  }
0x27: {  	[tilespmem:s17+$0xFFFFFE60] =	vst v3;
	v3 =	vld [tilespmem:s17+$0xFFFFFE70];
	_ =	sdelay $0x4  }
0x28: {  	v3 =	vmul.f32 v3, v50;
	_ =	sdelay $0x1  }
0x29: {  	[tilespmem:s17+$0xFFFFFE70] =	vst v3;
	v3 =	vld [tilespmem:s17+$0xFFFFFE80];
	_ =	sdelay $0x2  }
0x2a: {  	v51 =	vbroadcast v2, $0x2;
	_ =	sdelay $0x1  }
0x2b: {  	v3 =	vmul.f32 v3, v51;
	_ =	sdelay $0x1  }
0x2c: {  	[tilespmem:s17+$0xFFFFFE80] =	vst v3;
	v3 =	vld [tilespmem:s17+$0xFFFFFE90];
	_ =	sdelay $0x4  }
0x2d: {  	v3 =	vmul.f32 v3, v51;
	_ =	sdelay $0x1  }
0x2e: {  	[tilespmem:s17+$0xFFFFFE90] =	vst v3;
	v3 =	vld [tilespmem:s17+$0xFFFFFEA0];
	_ =	sdelay $0x4  }
0x2f: {  	v3 =	vmul.f32 v3, v51;
	_ =	sdelay $0x1  }
0x30: {  	[tilespmem:s17+$0xFFFFFEA0] =	vst v3;
	v3 =	vld [tilespmem:s17+$0xFFFFFEB0];
	_ =	sdelay $0x4  }
0x31: {  	v3 =	vmul.f32 v3, v51;
	_ =	sdelay $0x1  }
0x32: {  	[tilespmem:s17+$0xFFFFFEB0] =	vst v3;
	v3 =	vld [tilespmem:s17+$0xFFFFFEC0];
	_ =	sdelay $0x2  }
0x33: {  	v52 =	vbroadcast v2, $0x3;
	_ =	sdelay $0x1  }
0x34: {  	v3 =	vmul.f32 v3, v52;
	_ =	sdelay $0x1  }
0x35: {  	[tilespmem:s17+$0xFFFFFEC0] =	vst v3;
	v3 =	vld [tilespmem:s17+$0xFFFFFED0];
	_ =	sdelay $0x4  }
0x36: {  	v3 =	vmul.f32 v3, v52;
	_ =	sdelay $0x1  }
0x37: {  	[tilespmem:s17+$0xFFFFFED0] =	vst v3;
	v3 =	vld [tilespmem:s17+$0xFFFFFEE0];
	_ =	sdelay $0x4  }
0x38: {  	v3 =	vmul.f32 v3, v52;
	_ =	sdelay $0x1  }
0x39: {  	[tilespmem:s17+$0xFFFFFEE0] =	vst v3;
	v3 =	vld [tilespmem:s17+$0xFFFFFEF0];
	_ =	sdelay $0x4  }
0x3a: {  	v3 =	vmul.f32 v3, v52;
	_ =	sdelay $0x1  }
0x3b: {  	[tilespmem:s17+$0xFFFFFEF0] =	vst v3;
	v3 =	vld [tilespmem:s17+$0xFFFFFF00];
	_ =	sdelay $0x2  }
0x3c: {  	v53 =	vbroadcast v2, $0x4;
	_ =	sdelay $0x1  }
0x3d: {  	v3 =	vmul.f32 v3, v53;
	_ =	sdelay $0x1  }
0x3e: {  	[tilespmem:s17+$0xFFFFFF00] =	vst v3;
	v3 =	vld [tilespmem:s17+$0xFFFFFF10];
	_ =	sdelay $0x4  }
0x3f: {  	v3 =	vmul.f32 v3, v53;
	_ =	sdelay $0x1  }
0x40: {  	[tilespmem:s17+$0xFFFFFF10] =	vst v3;
	v3 =	vld [tilespmem:s17+$0xFFFFFF20];
	_ =	sdelay $0x4  }
0x41: {  	v3 =	vmul.f32 v3, v53;
	_ =	sdelay $0x1  }
0x42: {  	[tilespmem:s17+$0xFFFFFF20] =	vst v3;
	v3 =	vld [tilespmem:s17+$0xFFFFFF30];
	_ =	sdelay $0x4  }
0x43: {  	v3 =	vmul.f32 v3, v53;
	_ =	sdelay $0x1  }
0x44: {  	[tilespmem:s17+$0xFFFFFF30] =	vst v3;
	v3 =	vld [tilespmem:s17+$0xFFFFFF40];
	_ =	sdelay $0x2  }
0x45: {  	v54 =	vbroadcast v2, $0x5;
	_ =	sdelay $0x1  }
0x46: {  	v3 =	vmul.f32 v3, v54;
	_ =	sdelay $0x1  }
0x47: {  	[tilespmem:s17+$0xFFFFFF40] =	vst v3;
	v3 =	vld [tilespmem:s17+$0xFFFFFF50];
	_ =	sdelay $0x4  }
0x48: {  	v3 =	vmul.f32 v3, v54;
	_ =	sdelay $0x1  }
0x49: {  	[tilespmem:s17+$0xFFFFFF50] =	vst v3;
	v3 =	vld [tilespmem:s17+$0xFFFFFF60];
	_ =	sdelay $0x4  }
0x4a: {  	v3 =	vmul.f32 v3, v54;
	_ =	sdelay $0x1  }
0x4b: {  	[tilespmem:s17+$0xFFFFFF60] =	vst v3;
	v3 =	vld [tilespmem:s17+$0xFFFFFF70];
	_ =	sdelay $0x4  }
0x4c: {  	v3 =	vmul.f32 v3, v54;
	_ =	sdelay $0x1  }
0x4d: {  	[tilespmem:s17+$0xFFFFFF70] =	vst v3;
	v3 =	vld [tilespmem:s17+$0xFFFFFF80];
	_ =	sdelay $0x2  }
0x4e: {  	v55 =	vbroadcast v2, $0x6;
	_ =	sdelay $0x1  }
0x4f: {  	v3 =	vmul.f32 v3, v55;
	_ =	sdelay $0x1  }
0x50: {  	[tilespmem:s17+$0xFFFFFF80] =	vst v3;
	v3 =	vld [tilespmem:s17+$0xFFFFFF90];
	_ =	sdelay $0x4  }
0x51: {  	v3 =	vmul.f32 v3, v55;
	_ =	sdelay $0x1  }
0x52: {  	[tilespmem:s17+$0xFFFFFF90] =	vst v3;
	v3 =	vld [tilespmem:s17+$0xFFFFFFA0];
	_ =	sdelay $0x4  }
0x53: {  	v3 =	vmul.f32 v3, v55;
	_ =	sdelay $0x1  }
0x54: {  	[tilespmem:s17+$0xFFFFFFA0] =	vst v3;
	v3 =	vld [tilespmem:s17+$0xFFFFFFB0];
	_ =	sdelay $0x4  }
0x55: {  	v3 =	vmul.f32 v3, v55;
	_ =	sdelay $0x1  }
0x56: {  	[tilespmem:s17+$0xFFFFFFB0] =	vst v3;
	v3 =	vld [tilespmem:s17+$0xFFFFFFC0];
	_ =	sdelay $0x2  }
0x57: {  	v56 =	vbroadcast v2, $0x7;
	_ =	sdelay $0x1  }
0x58: {  	v3 =	vmul.f32 v3, v56;
	_ =	sdelay $0x1  }
0x59: {  	[tilespmem:s17+$0xFFFFFFC0] =	vst v3;
	v3 =	vld [tilespmem:s17+$0xFFFFFFD0];
	_ =	sdelay $0x4  }
0x5a: {  	v3 =	vmul.f32 v3, v56;
	_ =	sdelay $0x1  }
0x5b: {  	[tilespmem:s17+$0xFFFFFFD0] =	vst v3;
	v3 =	vld [tilespmem:s17+$0xFFFFFFE0];
	_ =	sdelay $0x4  }
0x5c: {  	v3 =	vmul.f32 v3, v56;
	_ =	sdelay $0x1  }
0x5d: {  	[tilespmem:s17+$0xFFFFFFE0] =	vst v3;
	v3 =	vld [tilespmem:s17+$0xFFFFFFF0];
	_ =	sdelay $0x4  }
0x5e: {  	v3 =	vmul.f32 v3, v56;
	_ =	sdelay $0x1  }
0x5f: {  	[tilespmem:s17+$0xFFFFFFF0] =	vst v3;
	v3 =	vld [tilespmem:s17+$0x0];
	_ =	sdelay $0x2  }
0x60: {  	v57 =	vbroadcast v2, $0x8;
	_ =	sdelay $0x1  }
0x61: {  	v3 =	vmul.f32 v3, v57;
	_ =	sdelay $0x1  }
0x62: {  	[tilespmem:s17+$0x0] =	vst v3;
	v3 =	vld [tilespmem:s17+$0x10];
	_ =	sdelay $0x4  }
0x63: {  	v3 =	vmul.f32 v3, v57;
	_ =	sdelay $0x1  }
0x64: {  	[tilespmem:s17+$0x10] =	vst v3;
	v3 =	vld [tilespmem:s17+$0x20];
	_ =	sdelay $0x4  }
0x65: {  	v3 =	vmul.f32 v3, v57;
	_ =	sdelay $0x1  }
0x66: {  	[tilespmem:s17+$0x20] =	vst v3;
	v3 =	vld [tilespmem:s17+$0x30];
	_ =	sdelay $0x4  }
0x67: {  	v3 =	vmul.f32 v3, v57;
	_ =	sdelay $0x1  }
0x68: {  	[tilespmem:s17+$0x30] =	vst v3;
	v3 =	vld [tilespmem:s17+$0x40];
	_ =	sdelay $0x2  }
0x69: {  	v58 =	vbroadcast v2, $0x9;
	_ =	sdelay $0x1  }
0x6a: {  	v3 =	vmul.f32 v3, v58;
	_ =	sdelay $0x1  }
0x6b: {  	[tilespmem:s17+$0x40] =	vst v3;
	v3 =	vld [tilespmem:s17+$0x50];
	_ =	sdelay $0x4  }
0x6c: {  	v3 =	vmul.f32 v3, v58;
	_ =	sdelay $0x1  }
0x6d: {  	[tilespmem:s17+$0x50] =	vst v3;
	v3 =	vld [tilespmem:s17+$0x60];
	_ =	sdelay $0x4  }
0x6e: {  	v3 =	vmul.f32 v3, v58;
	_ =	sdelay $0x1  }
0x6f: {  	[tilespmem:s17+$0x60] =	vst v3;
	v3 =	vld [tilespmem:s17+$0x70];
	_ =	sdelay $0x4  }
0x70: {  	v3 =	vmul.f32 v3, v58;
	_ =	sdelay $0x1  }
0x71: {  	[tilespmem:s17+$0x70] =	vst v3;
	v3 =	vld [tilespmem:s17+$0x80];
	_ =	sdelay $0x2  }
0x72: {  	v59 =	vbroadcast v2, $0xA;
	_ =	sdelay $0x1  }
0x73: {  	v3 =	vmul.f32 v3, v59;
	_ =	sdelay $0x1  }
0x74: {  	[tilespmem:s17+$0x80] =	vst v3;
	v3 =	vld [tilespmem:s17+$0x90];
	_ =	sdelay $0x4  }
0x75: {  	v3 =	vmul.f32 v3, v59;
	_ =	sdelay $0x1  }
0x76: {  	[tilespmem:s17+$0x90] =	vst v3;
	v3 =	vld [tilespmem:s17+$0xA0];
	_ =	sdelay $0x4  }
0x77: {  	v3 =	vmul.f32 v3, v59;
	_ =	sdelay $0x1  }
0x78: {  	[tilespmem:s17+$0xA0] =	vst v3;
	v3 =	vld [tilespmem:s17+$0xB0];
	_ =	sdelay $0x4  }
0x79: {  	v3 =	vmul.f32 v3, v59;
	_ =	sdelay $0x1  }
0x7a: {  	[tilespmem:s17+$0xB0] =	vst v3;
	v3 =	vld [tilespmem:s17+$0xC0];
	_ =	sdelay $0x2  }
0x7b: {  	v60 =	vbroadcast v2, $0xB;
	_ =	sdelay $0x1  }
0x7c: {  	v3 =	vmul.f32 v3, v60;
	_ =	sdelay $0x1  }
0x7d: {  	[tilespmem:s17+$0xC0] =	vst v3;
	v3 =	vld [tilespmem:s17+$0xD0];
	_ =	sdelay $0x4  }
0x7e: {  	v3 =	vmul.f32 v3, v60;
	_ =	sdelay $0x1  }
0x7f: {  	[tilespmem:s17+$0xD0] =	vst v3;
	v3 =	vld [tilespmem:s17+$0xE0];
	_ =	sdelay $0x4  }
0x80: {  	v3 =	vmul.f32 v3, v60;
	_ =	sdelay $0x1  }
0x81: {  	[tilespmem:s17+$0xE0] =	vst v3;
	v3 =	vld [tilespmem:s17+$0xF0];
	_ =	sdelay $0x4  }
0x82: {  	v3 =	vmul.f32 v3, v60;
	_ =	sdelay $0x1  }
0x83: {  	[tilespmem:s17+$0xF0] =	vst v3;
	v3 =	vld [tilespmem:s17+$0x100];
	_ =	sdelay $0x2  }
0x84: {  	v61 =	vbroadcast v2, $0xC;
	_ =	sdelay $0x1  }
0x85: {  	v3 =	vmul.f32 v3, v61;
	_ =	sdelay $0x1  }
0x86: {  	[tilespmem:s17+$0x100] =	vst v3;
	v3 =	vld [tilespmem:s17+$0x110];
	_ =	sdelay $0x4  }
0x87: {  	v3 =	vmul.f32 v3, v61;
	_ =	sdelay $0x1  }
0x88: {  	[tilespmem:s17+$0x110] =	vst v3;
	v3 =	vld [tilespmem:s17+$0x120];
	_ =	sdelay $0x4  }
0x89: {  	v3 =	vmul.f32 v3, v61;
	_ =	sdelay $0x1  }
0x8a: {  	[tilespmem:s17+$0x120] =	vst v3;
	v3 =	vld [tilespmem:s17+$0x130];
	_ =	sdelay $0x4  }
0x8b: {  	v3 =	vmul.f32 v3, v61;
	_ =	sdelay $0x1  }
0x8c: {  	[tilespmem:s17+$0x130] =	vst v3;
	v3 =	vld [tilespmem:s17+$0x140];
	_ =	sdelay $0x2  }
0x8d: {  	v62 =	vbroadcast v2, $0xD;
	_ =	sdelay $0x1  }
0x8e: {  	v3 =	vmul.f32 v3, v62;
	_ =	sdelay $0x1  }
0x8f: {  	[tilespmem:s17+$0x140] =	vst v3;
	v3 =	vld [tilespmem:s17+$0x150];
	_ =	sdelay $0x4  }
0x90: {  	v3 =	vmul.f32 v3, v62;
	_ =	sdelay $0x1  }
0x91: {  	[tilespmem:s17+$0x150] =	vst v3;
	v3 =	vld [tilespmem:s17+$0x160];
	_ =	sdelay $0x4  }
0x92: {  	v3 =	vmul.f32 v3, v62;
	_ =	sdelay $0x1  }
0x93: {  	[tilespmem:s17+$0x160] =	vst v3;
	v3 =	vld [tilespmem:s17+$0x170];
	_ =	sdelay $0x4  }
0x94: {  	v3 =	vmul.f32 v3, v62;
	_ =	sdelay $0x1  }
0x95: {  	[tilespmem:s17+$0x170] =	vst v3;
	v3 =	vld [tilespmem:s17+$0x180];
	_ =	sdelay $0x2  }
0x96: {  	v63 =	vbroadcast v2, $0xE;
	_ =	sdelay $0x1  }
0x97: {  	v3 =	vmul.f32 v3, v63;
	_ =	sdelay $0x1  }
0x98: {  	[tilespmem:s17+$0x180] =	vst v3;
	v3 =	vld [tilespmem:s17+$0x190];
	_ =	sdelay $0x4  }
0x99: {  	v3 =	vmul.f32 v3, v63;
	_ =	sdelay $0x1  }
0x9a: {  	[tilespmem:s17+$0x190] =	vst v3;
	v3 =	vld [tilespmem:s17+$0x1A0];
	_ =	sdelay $0x4  }
0x9b: {  	v3 =	vmul.f32 v3, v63;
	_ =	sdelay $0x1  }
0x9c: {  	[tilespmem:s17+$0x1A0] =	vst v3;
	v3 =	vld [tilespmem:s17+$0x1B0];
	_ =	sdelay $0x4  }
0x9d: {  	v3 =	vmul.f32 v3, v63;
	_ =	sdelay $0x1  }
0x9e: {  	[tilespmem:s17+$0x1B0] =	vst v3;
	v3 =	vld [tilespmem:s17+$0x1C0];
	_ =	sdelay $0x2  }
0x9f: {  	v2 =	vbroadcast v2, $0xF;
	_ =	sdelay $0x1  }
0xa0: {  	v3 =	vmul.f32 v3, v2;
	_ =	sdelay $0x1  }
0xa1: {  	[tilespmem:s17+$0x1C0] =	vst v3;
	v3 =	vld [tilespmem:s17+$0x1D0];
	_ =	sdelay $0x4  }
0xa2: {  	v3 =	vmul.f32 v3, v2;
	_ =	sdelay $0x1  }
0xa3: {  	[tilespmem:s17+$0x1D0] =	vst v3;
	v3 =	vld [tilespmem:s17+$0x1E0];
	_ =	sdelay $0x4  }
0xa4: {  	v3 =	vmul.f32 v3, v2;
	_ =	sdelay $0x1  }
0xa5: {  	[tilespmem:s17+$0x1E0] =	vst v3;
	v3 =	vld [tilespmem:s17+$0x1F0];
	_ =	sdelay $0x1  }
0xa6: {  	p0 =	sne.s32 s16, $0x1C0  }
.Ltmp0:
0xa7: {  	_ = 	snop;
	(pc) =	sbr.rel @p0 .LBB2_3-.Ltmp0, $3  }
0xa8: {  	_ = 	snop  }
0xa9: {  	v2 =	vmul.f32 v3, v2;
	_ =	sdelay $0x1  }
0xaa: {  	s16 =	sadd.s32 $0x40, s16;
	[tilespmem:s17+$0x1F0] =	vst v2;
	s17 =	sadd.s32 $0x400, s17  }
0xab: {  	s15 =	sadd.s32 s3, s15;
	s14 =	sadd.s32 $0x1, s14  }
0xac: {  	s15 =	sshll.u32 s15, $0x3;
	p0 =	sne.s32 s14, $0x32  }
.Ltmp1:
0xad: {  	s15 =	sadd.s32 s2, s15;
	(pc) =	sbr.rel @p0 .LBB2_2-.Ltmp1, $4  }
0xae: {  	[hbm4b:s15+s4] =	stream.linear.scatter [tilespmem:s10], [sflag:$0x2], $0x2000, $0x38;
	[tilespmem:$0x3900] =	vst v63  }
0xaf: {  	_ =	swait.ge [sflag:s8], $0x2000  }
0xb0: {  	[sflag:s8] =	ssyncset.done $0x0  }
0xb1: {  	s13 =	sadd.s32 $0x80, s13;
	[sflag:s8] =	ssyncadd.s32 $0xFFFFE000  }
0xb2: {  	s12 =	sadd.s32 $0x1, s12  }
0xb3: {  	p0 =	sne.s32 s12, s7  }
.Ltmp2:
0xb4: {  	_ = 	snop;
	(pc) =	sbr.rel @p0 .LBB2_1-.Ltmp2, $1  }
0xb5: {  	_ =	sdelay $0x3  }
0xb6: {  	_ =	sfence.sel $0x180000  }
0xb7: {  	[bflag:$0x0] =	sbarrier.arrive $0xFFFF  }
0xb8: {  	p0 =	sne.s32 s0, $0x0;
	_ =	strace $0x90000047  }
0xb9: {  	s0 =	sadd.s32 @!p0 $0x100000, s1;
	[bflag:$0x2] =	sbarrier.arrive $0xFFFF  }
0xba: {  	[sflag:s0] =	ssyncadd.tile.s32 @!p0 $0x1;
	_ =	shalt  }
.Lfunc_end2:
_tile_overlayer_lowered:
.L_overlay_start_2:
0xbb: {  	(tag) =	ssettag $0x2  }
0xbc: {  	s0 =	rddreg [dreg:$0x0];
	s2 =	stileid.u32  }
0xbd: {  	s1 =	rddreg [dreg:$0x1];
	p0 =	sne.s32 s2, $0x0  }
0xbe: {  	s3 =	rddreg [dreg:$0x2];
	[bflag:$0x3] =	sbarrier.arrive $0xFFFF;
	s2 =	simm.s32 @!p0 $0x1C02  }
0xbf: {  	[timem:s3], [sflag:s2] =	dma.local @!p0 [hbm:s0], s1  }
0xc0: {  	s0 =	simm.s32 @!p0 $0x2  }
0xc1: {  	_ =	swait.ge @!p0 [sflag:s0], s1  }
0xc2: {  	s1 =	ssub.s32 @!p0 $0x0, s1;
	[sflag:s0] =	ssyncset.done @!p0 $0x0  }
0xc3: {  	[sflag:s0] =	ssyncadd.s32 @!p0 s1  }
0xc4: {  	[bflag:$0x3] =	sbarrier.arrive $0xFFFF  }
0xc5: {  	_ =	shalt  }

// kernel: sparse-core-data-format-call.cloned.1.call-start
scs
called_computation_lowered:
.L_overlay_start_0:
0x0: {  	s2 =	sld [smem:$0x3FD9]  }
0x1: {  	s3 =	sld [smem:$0x3FFE];
	_ =	sdelay $0x1  }
0x2: {  	s1 =	srdreg.scid  }
0x3: {  	s0 =	sand.u32 $0x1, s1  }
0x4: {  	s18 =	sshll.u32 s0, $0xA;
	s2 =	sadd.s32 s3, s2  }
0x5: {  	s2 =	sadd.s32 s2, s18  }
0x6: {  	[smem:$0x3FC6] =	sst s2  }
0x7: {  	_ = 	snop  }
0x8: {  	s2 =	sld [smem:$0x3FD0];
	(tm) =	ssettm $0x1  }
0x9: {  	s19 =	sld [smem:$0x3FFB];
	_ =	sdelay $0x3  }
0xa: {  	_ =	strace s19  }
0xb: {  	s3 =	sld [smem:$0x3FFC];
	_ =	sdelay $0x3  }
0xc: {  	_ =	strace s3  }
0xd: {  	s3 =	sld [smem:$0x3FFD];
	_ =	sdelay $0x3  }
0xe: {  	_ =	strace s3  }
0xf: {  	_ =	strace $0x8FFFFFFF  }
0x10: {  	s20 =	sld [smem:$0x3FDB];
	_ =	sdelay $0x1  }
0x11: {  	s4 =	simm.s32 $_scs_section_size  }
0x12: {  	s5 =	simm.s32 $_size__tile_overlayer_lowered;
	s6 =	simm.s32 $_tile_overlayer_lowered  }
0x13: {  	s23 =	simm.s32 $0x1BFF;
	s22 =	sshll.u32 s6, $0x1;
	s3 =	sadd.s32 s4, s20  }
0x14: {  	s7 =	simm.s32 $0x0;
	s21 =	sshll.u32 s5, $0x1;
	s5 =	sadd.s32 s22, s3  }
0x15: {  	[timem:s7], [sflag:s23] =	dma.local [hbm:s5], s21  }
0x16: {  	_ =	swait.ge [sflag:s23], s21  }
0x17: {  	s4 =	ssub.s32 $0x0, s21;
	[sflag:s23] =	ssyncset.done $0x0  }
0x18: {  	[sflag:s23] =	ssyncadd.s32 s4;
	_ =	sdelay $0x1  }
0x19: {  	s24 =	simm.s32 $0x1B8B  }
0x1a: {  	_ =	swait.ge [sflag:s24], $0x1  }
0x1b: {  	[sflag:s24] =	ssyncset.done $0x0  }
0x1c: {  	s26 =	simm.s32 $0x1B8E;
	s25 =	sld [smem:$0x3FFE];
	[sflag:s24] =	ssyncadd.s32 $0xFFFFFFFF  }
0x1d: {  	s27 =	simm.s32 $execute0_lowered;
	[smem:$0x3FD2] =	sst s26  }
0x1e: {  	s5 =	sshll.u32 s27, $0x1;
	_ =	strace $0x80000049;
	[dreg:$0x1] =	wrdreg $0xFFFFFFFF  }
0x1f: {  	s28 =	simm.s32 $_size_execute0_lowered;
	s3 =	sadd.s32 s3, s5;
	[dreg:$0x0] =	wrdreg $0x0  }
0x20: {  	s5 =	sshll.u32 s28, $0x1;
	[dreg:$0x2] =	wrdreg s3  }
0x21: {  	[dreg:$0x3] =	wrdreg s5  }
0x22: {  	[dreg:$0x4] =	wrdreg $0xC0  }
0x23: {  	_ =	task [dreg:s7], $0x5FFFF  }
0x24: {  	[dreg:$0x1] =	wrdreg $0xFFFFFFFF  }
0x25: {  	[dreg:$0x0] =	wrdreg $0x60  }
0x26: {  	[dreg:$0x2] =	wrdreg s25  }
0x27: {  	[dreg:$0x3] =	wrdreg s2  }
0x28: {  	[dreg:$0x4] =	wrdreg $0x9  }
0x29: {  	_ =	task.clear_ibuf [dreg:s7], $0x5FFFF;
	_ =	strace $0x90000049  }
0x2a: {  	s29 =	simm.s32 $0x9;
	_ =	strace $0x8000004B  }
0x2b: {  	_ =	swait.ge [sflag:s29], $0x1  }
0x2c: {  	[sflag:s29] =	ssyncadd.s32 $0xFFFFFFFF  }
0x2d: {  	_ =	strace $0x9000004B  }
0x2e: {  	_ =	sfence  }
0x2f: {  	s30 =	sld [smem:$0x0];
	_ =	sdelay $0x2  }
0x30: {  	s31 =	sshll.u32 s1, $0xD;
	s1 =	sshrl.u32 s1, $0x2  }
0x31: {  	s3 =	sand.u32 $0x4000, s31;
	s1 =	sadd.s32 s1, s30  }
0x32: {  	s0 =	sor.u32 s3, s0;
	s1 =	sshll.u32 s1, $0x11  }
0x33: {  	s0 =	sor.u32 s1, s0  }
0x34: {  	s0 =	sadd.s32 $0x8F2B, s0  }
0x35: {  	[sflag:s0] =	ssyncadd.remote.s32 $0x1  }
0x36: {  	_ =	sfence.sel $0xFFFF  }
0x37: {  	[dreg:$0x0] =	wrdreg $0xFFFFFFFF;
	(pc) =	sbr.abs _section_cstart, $3  }
0x38: {  	[dreg:$0x1] =	wrdreg $0xFFFFFFFF  }
0x39: {  	_ =	task.clear_ibuf [dreg:s7], $0x2FFFF;
	_ =	strace $0x9FFFFFFF  }
0x3a: {  	(tm) =	ssettm $0x7FFFFFFF  }
0x3b: {  	_ =	shalt  }
tec
execute0_lowered:
.L_overlay_start_1:
0x0: {  	(tag) =	ssettag $0x1  }
0x1: {  	s0 =	srdreg.scid  }
0x2: {  	s1 =	sshll.u32 s0, $0x4  }
0x3: {  	s0 =	stileid.u32;
	s1 =	sand.u32 $0x10, s1  }
0x4: {  	s1 =	sor.u32 s0, s1  }
0x5: {  	s6 =	rddreg [dreg:$0x0];
	s4 =	simm.s32 $0x1;
	s2 =	sshll.u32 s1, $0x7  }
0x6: {  	s7 =	simm.s32 $0x2;
	s12 =	simm.s32 $0x0;
	s1 =	ssub.s32 $0x1000, s2  }
0x7: {  	s8 =	simm.s32 $0x8000;
	s13 =	simm.s32 $0x0;
	s3 =	sand.u32 $0xF80, s1  }
0x8: {  	s9 =	simm.s32 $0x0;
	s5 =	sshrl.u32 s1, $0xC;
	p0 =	sne.s32 s3, $0x0  }
.Ltmp0:
0x9: {  	s1 =	rddreg [dreg:$0x2];
	s4 =	simm.s32 @!p0 $0x0;
	(pc) =	sbr.rel .LBB1_1-.Ltmp0, $4  }
0xa: {  	s11 =	simm.s32 $0x0;
	s3 =	rddreg [dreg:$0x1];
	s5 =	sadd.s32 s4, s5  }
0xb: {  	_ =	strace $0x8000004A;
	s4 =	simm.s32 $0x1;
	s5 =	smul.u32 $0x32, s5  }
0xc: {  	s6 =	sadd.s32 $0xA00, s6;
	s10 =	smov.u32 s2;
	[sflag:s4] =	ssyncpa.u1 $0x0  }
0xd: {  	p0 =	por $0x0, $0x0;
	[sflag:s7] =	ssyncpa.u1 $0x0;
	s7 =	sor.u32 $0x1, s5  }
.LBB1_4:
0xe: {  	s16 =	sshll.u32 s13, $0x3;
	s17 =	sand.u32 $0x78, s13  }
0xf: {  	s30 =	sand.u32 $0x7E00, s13;
	s12 =	sshll.u32 s12, $0xF;
	s16 =	sand.u32 $0xC00, s16  }
0x10: {  	[tilespmem:s15+$0x810 ss:$0x81] =	vst.msk $0xffff, v2;
	s31 =	sand.u32 $0x7, s13;
	s16 =	sor.u32 s17, s16;
	s17 =	sadd.s32 s3, s30  }
0x11: {  	[tilespmem:s15+$0x1020 ss:$0x81] =	vst.msk $0xffff, v0;
	s13 =	sshll.u32 s31, $0x12;
	s12 =	sadd.s32 s12, s17;
	s16 =	sshrl.u32 s16, $0x3  }
0x12: {  	[tilespmem:s15+$0x0 ss:$0x81] =	vst.msk $0xffff, v1;
	s13 =	sor.u32 $0x400, s13;
	s12 =	sadd.s32 s16, s12  }
0x13: {  	[hbm4b:s12+s13] =	stream.strided.scatter [tilespmem:s14], [sflag:$0x2], $0x2000, s8, s13, $0x20;
	[tilespmem:$0x8080] =	vst v63  }
.LBB1_5:
0x14: {  	s14 =	sadd.s32 $0x1, s9  }
0x15: {  	s12 =	sadd.s32 $0x1000, s10;
	s16 =	smov.u32 s10;
	p2 =	sgt.s32 s14, $0x31  }
0x16: {  	s16 =	smov.u32 @p2 s12  }
0x17: {  	s14 =	simm.s32 @p2 $0x0;
	p2 =	sgt.s32 s16, $0xFFF  }
0x18: {  	s16 =	smov.u32 @p2 s2;
	p2 =	sne.s32 s11, s7  }
.Ltmp1:
0x19: {  	p1 =	slt.u32 s11, $0x2;
	(pc) =	sbr.rel @!p2 .LBB1_6-.Ltmp1, $4  }
0x1a: {  	s15 =	simm.s32 @!p1 $0x2  }
0x1b: {  	s13 =	smov.u32 s10;
	p0 =	por !p0, !p0;
	_ =	swait.ge @!p1 [sflag:s15], $0x2000  }
0x1c: {  	s12 =	smov.u32 s9;
	[sflag:s15] =	ssyncset.done @!p1 $0x0;
	s9 =	smov.u32 s14  }
0x1d: {  	s11 =	sadd.s32 $0x1, s11;
	[sflag:s15] =	ssyncadd.s32 @!p1 $0xFFFFE000;
	s10 =	smov.u32 s16  }
.LBB1_1:
0x1e: {  	p1 =	sge.u32 s11, s5  }
0x1f: {  	s14 =	sand.u32 @!p1 $0x1FFFFFF, s9  }
0x20: {  	s15 =	smulhi.u32 @!p1 $0x4924925, s14;
	_ =	sdelay $0x1  }
0x21: {  	s15 =	smul.u32 @!p1 $0x38, s15  }
0x22: {  	s16 =	sxor.u32 @!p1 $0xFFFFFFFF, s11;
	s17 =	smul.u32 @!p1 $0x380, s10  }
0x23: {  	s31 =	sadd.s32 $0xFFFFFFFF, s11;
	s16 =	sshll.u32 @!p1 s16, $0xD;
	s14 =	ssub.s32 @!p1 s14, s15  }
0x24: {  	s15 =	sand.u32 @!p1 $0x2000, s16;
	s16 =	sadd.s32 @!p1 s6, s17;
	s14 =	sshll.u32 @!p1 s14, $0x4  }
0x25: {  	s17 =	simm.s32 @!p1 $0x1C00;
	s14 =	sadd.s32 @!p1 s14, s16;
	s16 =	simm.s32 @!p1 $0x40  }
0x26: {  	[tilespmem:s15], [sflag:$0x1] =	stream.strided.gather @!p1 [hbm4b:s14+s16], $0x2000, s17, s16, $0x38;
	[tilespmem:$0x8080] =	vst v63  }
0x27: {  	p1 =	sge.u32 s31, s5  }
.Ltmp2:
0x28: {  	_ = 	snop;
	(pc) =	sbr.rel @p1 .LBB1_5-.Ltmp2, $1  }
0x29: {  	_ =	sdelay $0x3  }
0x2a: {  	s14 =	simm.s32 $0x1  }
0x2b: {  	_ =	swait.ge [sflag:s4], $0x2000;
	s14 =	simm.s32 @!p0 $0x0  }
0x2c: {  	[sflag:s4] =	ssyncset.done $0x0;
	s15 =	sshll.u32 s14, $0xD  }
0x2d: {  	[sflag:s4] =	ssyncadd.s32 $0xFFFFE000;
	s18 =	sor.u32 $0x20, s15  }
0x2e: {  	s14 =	smul.u32 $0x8100, s14;
	v3 =	vld [tilespmem:s18+$0x10]  }
0x2f: {  	s30 =	sand.u32 $0x1, s11;
	v2 =	vld [tilespmem:s18+$0xFFFFFFF0]  }
0x30: {  	s15 =	smul.u32 $0x8100, s30;
	s14 =	sshrl.u32 s14, $0x2;
	v0 =	vld [tilespmem:s18+$0x0]  }
0x31: {  	v1 =	vld [tilespmem:s18+$0xFFFFFFE0];
	s16 =	sor.u32 $0x4000, s14  }
0x32: {  	s31 =	sshrl.u32 s15, $0x2;
	s15 =	sadd.s32 $0x0, s16  }
0x33: {  	s17 =	simm.s32 $0x4;
	s18 =	sadd.s32 $0x40, s18;
	s14 =	sor.u32 $0x4000, s31;
	[tilespmem:s15+$0x1830 ss:$0x81] =	vst.msk $0xffff, v3  }
.LBB1_3:
0x34: {  	v3 =	vld [tilespmem:s18+$0x10];
	p1 =	sne.s32 s17, $0x1FC;
	[tilespmem:s15+$0x810 ss:$0x81] =	vst.msk $0xffff, v2;
	s19 =	smov.u32 s17;
	s17 =	sadd.s32 $0x4, s17  }
.Ltmp3:
0x35: {  	v2 =	vld [tilespmem:s18+$0xFFFFFFF0];
	[tilespmem:s15+$0x1020 ss:$0x81] =	vst.msk $0xffff, v0;
	(pc) =	sbr.rel @p1 .LBB1_3-.Ltmp3, $4  }
0x36: {  	v0 =	vld [tilespmem:s18+$0x0];
	[tilespmem:s15+$0x0 ss:$0x81] =	vst.msk $0xffff, v1  }
0x37: {  	s15 =	sshra.s32 s19, $0x2;
	v1 =	vld [tilespmem:s18+$0xFFFFFFE0]  }
0x38: {  	s15 =	sadd.s32 s15, s16  }
0x39: {  	s18 =	sadd.s32 $0x40, s18;
	[tilespmem:s15+$0x1830 ss:$0x81] =	vst.msk $0xffff, v3  }
.Ltmp4:
0x3a: {  	_ = 	snop;
	(pc) =	sbr.rel .LBB1_4-.Ltmp4, $1  }
0x3b: {  	_ =	sdelay $0x3  }
.LBB1_6:
0x3c: {  	_ =	sfence.sel $0x180000  }
0x3d: {  	s2 =	simm.s32 $0x1;
	[bflag:$0x0] =	sbarrier.arrive $0xFFFF  }
0x3e: {  	s31 =	simm.s32 $0x2;
	[sflag:s2] =	ssyncpa.u1 $0x1  }
0x3f: {  	[sflag:s31] =	ssyncpa.u1 $0x1  }
0x40: {  	p0 =	sne.s32 s0, $0x0;
	_ =	strace $0x9000004A  }
0x41: {  	s0 =	sadd.s32 @!p0 $0x100000, s1;
	[bflag:$0x2] =	sbarrier.arrive $0xFFFF  }
0x42: {  	[sflag:s0] =	ssyncadd.tile.s32 @!p0 $0x1;
	_ =	shalt  }
.Lfunc_end1:
_tile_overlayer_lowered:
.L_overlay_start_2:
0x43: {  	(tag) =	ssettag $0x2  }
0x44: {  	s0 =	rddreg [dreg:$0x0];
	s2 =	stileid.u32  }
0x45: {  	s1 =	rddreg [dreg:$0x1];
	p0 =	sne.s32 s2, $0x0  }
0x46: {  	s3 =	rddreg [dreg:$0x2];
	[bflag:$0x3] =	sbarrier.arrive $0xFFFF;
	s2 =	simm.s32 @!p0 $0x1C01  }
0x47: {  	[timem:s3], [sflag:s2] =	dma.local @!p0 [hbm:s0], s1  }
0x48: {  	s0 =	simm.s32 @!p0 $0x1  }
0x49: {  	_ =	swait.ge @!p0 [sflag:s0], s1  }
0x4a: {  	s1 =	ssub.s32 @!p0 $0x0, s1;
	[sflag:s0] =	ssyncset.done @!p0 $0x0  }
0x4b: {  	[sflag:s0] =	ssyncadd.s32 @!p0 s1  }
0x4c: {  	[bflag:$0x3] =	sbarrier.arrive $0xFFFF  }
0x4d: {  	_ =	shalt  }

</sc_bundles>
